<compile_context>
chip_gen: v7x
topology: tpu7x:2x2x1
jax: 0.10.2.dev20260603
libtpu: 0.0.44.dev20260713+nightly
codegen_flags: <defaults>
</compile_context>

<pallas_src>
import functools

import jax
import jax.numpy as jnp
from jax import lax
from jax.experimental import pallas as pl
from jax.experimental.pallas import tpu as pltpu
from jax.experimental.pallas import tpu_sc as plsc

N = 10000
D = 128
E = 320000

NPAD = 10112
NTILES = 32
CHUNK = 128
CPT = 79
NROWS = NTILES * CPT
EPAD = NROWS * CHUNK
SLAB = NPAD // 16
RCNT0 = 10016
CROWS = 79
PAD_DST0 = 10096


def _agg(zeros, feats, srcm, dstm, with_counts):
    mesh = plsc.VectorSubcoreMesh(core_axis_name="c", subcore_axis_name="s",
                                  num_cores=2, num_subcores=16)
    scratch = [
        pltpu.VMEM_SHARED((NPAD, D), jnp.float32),
        pltpu.VMEM((CHUNK,), jnp.int32),
        pltpu.VMEM((CHUNK,), jnp.int32),
        pltpu.VMEM((CHUNK, D), jnp.float32),
        pltpu.SemaphoreType.DMA,
    ]
    if with_counts:
        scratch += [
            pltpu.VMEM((CHUNK, D), jnp.float32),
            pltpu.VMEM((CHUNK,), jnp.int32),
        ]

    @functools.partial(
        pl.kernel,
        out_type=jax.ShapeDtypeStruct((2, NPAD, D), jnp.float32),
        mesh=mesh,
        scratch_types=scratch,
        compiler_params=pltpu.CompilerParams(needs_layout_passes=False),
    )
    def k(zeros_hbm, x_hbm, src_hbm, dst_hbm, out_hbm,
          accum, idx_s, idx_d, rows, sem, *cscratch):
        c = lax.axis_index("c")
        s = lax.axis_index("s")
        wid = s * 2 + c
        base = s * SLAB
        iota = lax.iota(jnp.int32, 16)
        zero16 = jnp.zeros((16,), jnp.float32)
        ones16 = jnp.ones((16,), jnp.float32)
        pltpu.sync_copy(zeros_hbm.at[pl.ds(base, SLAB)],
                        accum.at[pl.ds(base, SLAB)])
        if with_counts:
            onehot, cidx = cscratch

            def zh(i, carry):
                for j in range(D // 16):
                    onehot[i, pl.ds(j * 16, 16)] = zero16
                return carry

            lax.fori_loop(0, CHUNK, zh, 0)
        plsc.subcore_barrier()

        def step(i, carry):
            r = wid * CPT + i
            pltpu.sync_copy(src_hbm.at[r], idx_s)
            pltpu.sync_copy(dst_hbm.at[r], idx_d)
            pltpu.async_copy(x_hbm.at[idx_s], rows, sem).wait()
            pltpu.sync_copy(rows, accum.at[idx_d], add=True)
            if with_counts:
                onehot, cidx = cscratch
                for kk in range(CHUNK // 16):
                    dv = idx_d[pl.ds(kk * 16, 16)]
                    erow = kk * 16 + iota
                    colv = lax.bitwise_and(dv, D - 1)
                    plsc.store_scatter(onehot, [erow, colv], ones16)
                    cidx[pl.ds(kk * 16, 16)] = (
                        RCNT0 + lax.shift_right_logical(dv, 7))
                pltpu.sync_copy(onehot, accum.at[cidx], add=True)
                for kk in range(CHUNK // 16):
                    dv = idx_d[pl.ds(kk * 16, 16)]
                    erow = kk * 16 + iota
                    colv = lax.bitwise_and(dv, D - 1)
                    plsc.store_scatter(onehot, [erow, colv], zero16)
            return carry

        lax.fori_loop(0, CPT, step, 0)
        plsc.subcore_barrier()
        pltpu.sync_copy(accum.at[pl.ds(base, SLAB)],
                        out_hbm.at[c, pl.ds(base, SLAB)])

    return k(zeros, feats, srcm, dstm)


def _dense(p0, p1, c0, c1, xin, WlT, bl, WrT):
    BR = NPAD // 4

    def body(p0_ref, p1_ref, c0_ref, c1_ref, x_ref, wl_ref, bl_ref, wr_ref,
             o_ref):
        cnt = jnp.maximum(c0_ref[...] + c1_ref[...], 1.0)
        mean = (p0_ref[...] + p1_ref[...]) / cnt
        o_ref[...] = (
            jnp.dot(mean, wl_ref[...], preferred_element_type=jnp.float32)
            + jnp.dot(x_ref[...], wr_ref[...],
                      preferred_element_type=jnp.float32)
            + bl_ref[...])

    return pl.pallas_call(
        body,
        grid=(NPAD // BR,),
        in_specs=[
            pl.BlockSpec((BR, D), lambda i: (i, 0)),
            pl.BlockSpec((BR, D), lambda i: (i, 0)),
            pl.BlockSpec((BR, 1), lambda i: (i, 0)),
            pl.BlockSpec((BR, 1), lambda i: (i, 0)),
            pl.BlockSpec((BR, D), lambda i: (i, 0)),
            pl.BlockSpec((D, D), lambda i: (0, 0)),
            pl.BlockSpec((1, D), lambda i: (0, 0)),
            pl.BlockSpec((D, D), lambda i: (0, 0)),
        ],
        out_specs=pl.BlockSpec((BR, D), lambda i: (i, 0)),
        out_shape=jax.ShapeDtypeStruct((NPAD, D), jnp.float32),
    )(p0, p1, c0, c1, xin, WlT, bl, WrT)


def _cnt_view(p):
    return p[RCNT0:RCNT0 + CROWS].reshape(CROWS * D)[:NPAD].reshape(NPAD, 1)


def kernel(x, edge_index, x_batch, Wl1, bl1, Wr1, Wl2, bl2, Wr2):
    src = edge_index[0]
    dst = edge_index[1]
    pad_n = EPAD - E
    pad_src = jnp.arange(pad_n, dtype=jnp.int32) % N
    pad_dst = PAD_DST0 + (jnp.arange(pad_n, dtype=jnp.int32) % 16)
    srcm = jnp.concatenate([src, pad_src]).reshape(NROWS, CHUNK)
    dstm = jnp.concatenate([dst, pad_dst]).reshape(NROWS, CHUNK)
    xp = jnp.zeros((NPAD, D), jnp.float32).at[:N].set(x)
    zeros = jnp.zeros((NPAD, D), jnp.float32)

    p = _agg(zeros, xp, srcm, dstm, with_counts=True)
    c0, c1 = _cnt_view(p[0]), _cnt_view(p[1])
    h = _dense(p[0], p[1], c0, c1, xp, Wl1.T, bl1.reshape(1, D), Wr1.T)
    q = _agg(zeros, h, srcm, dstm, with_counts=False)
    out = _dense(q[0], q[1], c0, c1, h, Wl2.T, bl2.reshape(1, D), Wr2.T)
    return out[:N]

# --- scband reference (transcript-rebuilt; emitter-appended) ---
"""Pipeline reference for scband-gnn-15169824490051 (READ-ONLY COPY).

The authoritative reference and input builder live on the scoring server;
editing this copy changes nothing except your own understanding.
"""

import jax, jax.numpy as jnp
import numpy as np

N = 10000
E = 320000
D = 128


def setup_inputs(seed: int = 0) -> dict:
    key = jax.random.key(seed)
    ks = jax.random.split(key, 10)
    s = 1.0 / np.sqrt(D)
    x = jax.random.normal(ks[0], (N, D), dtype=jnp.float32)
    edge_index = jax.random.randint(ks[1], (2, E), 0, N, dtype=jnp.int32)
    x_batch = jnp.zeros((N,), dtype=jnp.int32)
    # SAGEConv layer 1 params: lin_l (with bias) applied to aggregated neighbors, lin_r (no bias) applied to self
    Wl1 = jax.random.uniform(ks[2], (D, D), dtype=jnp.float32, minval=-s, maxval=s)
    bl1 = jax.random.uniform(ks[3], (D,), dtype=jnp.float32, minval=-s, maxval=s)
    Wr1 = jax.random.uniform(ks[4], (D, D), dtype=jnp.float32, minval=-s, maxval=s)
    # SAGEConv layer 2 params
    Wl2 = jax.random.uniform(ks[5], (D, D), dtype=jnp.float32, minval=-s, maxval=s)
    bl2 = jax.random.uniform(ks[6], (D,), dtype=jnp.float32, minval=-s, maxval=s)
    Wr2 = jax.random.uniform(ks[7], (D, D), dtype=jnp.float32, minval=-s, maxval=s)
    return {"x": x, "edge_index": edge_index, "x_batch": x_batch,
            "Wl1": Wl1, "bl1": bl1, "Wr1": Wr1,
            "Wl2": Wl2, "bl2": bl2, "Wr2": Wr2}


def _sage_conv(x, edge_index, Wl, bl, Wr):
    # PyG SAGEConv with mean aggregation:
    # out = lin_l(mean_{j in N(i)} x_j) + lin_r(x_i)
    src = edge_index[0]
    dst = edge_index[1]
    msgs = jnp.take(x, src, axis=0)
    summed = jax.ops.segment_sum(msgs, dst, num_segments=N)
    cnt = jax.ops.segment_sum(jnp.ones((msgs.shape[0],), dtype=x.dtype), dst, num_segments=N)
    mean = summed / jnp.clip(cnt, 1.0, None)[:, None]
    return mean @ Wl.T + bl + x @ Wr.T


def reference(x, edge_index, x_batch, Wl1, bl1, Wr1, Wl2, bl2, Wr2):
    # GNN forward with model_type='SAGE', num_layers=2, act_type='relu'.
    # Note: original code only applies act_layer when act_type != 'relu',
    # so with act_type='relu' no activation is applied between layers.
    # Dropout is a no-op at eval time (training=False).
    h = _sage_conv(x, edge_index, Wl1, bl1, Wr1)
    out = _sage_conv(h, edge_index, Wl2, bl2, Wr2)
    return out

if __name__ == "__main__":
    import jax
    _d = setup_inputs()
    print(jax.jit(kernel)(*tuple(_d.values())))

</pallas_src>

<mosaic_0001>
#map = affine_map<(d0, d1) -> (0, 0)>
#map1 = affine_map<(d0, d1) -> (0, 0, 0)>
module attributes {stable_mosaic.version = 14 : i64} {
  func.func @k(%arg0: i32, %arg1: i32, %arg2: memref<10112x128xf32, #tpu.memory_space<hbm>>, %arg3: memref<10112x128xf32, #tpu.memory_space<hbm>>, %arg4: memref<2528x128xi32, #tpu.memory_space<hbm>>, %arg5: memref<2528x128xi32, #tpu.memory_space<hbm>>, %arg6: memref<2x10112x128xf32, #tpu.memory_space<hbm>>, %arg7: memref<10112x128xf32, #tpu.memory_space<vmem_shared>>, %arg8: memref<128xi32, #tpu.memory_space<vmem>>, %arg9: memref<128xi32, #tpu.memory_space<vmem>>, %arg10: memref<128x128xf32, #tpu.memory_space<vmem>>, %arg11: memref<!tpu.dma_semaphore, #tpu.memory_space<semaphore_mem>>, %arg12: memref<128x128xf32, #tpu.memory_space<vmem>>, %arg13: memref<128xi32, #tpu.memory_space<vmem>>) attributes {dimension_semantics = [#tpu.dimension_semantics<core_parallel>, #tpu.dimension_semantics<subcore_parallel>], iteration_bounds = array<i64: 2, 16>, scalar_prefetch = 0 : i64, scratch_operands = 7 : i64, tpu.core_type = #tpu.core_type<sc_vector_subcore>, window_params = [{transform_indices = #map}, {transform_indices = #map}, {transform_indices = #map}, {transform_indices = #map}, {transform_indices = #map1}]} {
    %mul3A = arith.constant 2 : i32
    %mul3A_0 = arith.muli %arg1, %mul3A : i32
    %add3A = arith.addi %mul3A_0, %arg0 : i32
    %mul3A_1 = arith.constant 632 : i32
    %mul3A_2 = arith.muli %arg1, %mul3A_1 : i32
    %iota3A = tpu.iota {dimensions = array<i32: 0>} : vector<16xi32>
    %broadcast_in_dim3A = arith.constant 0.000000e+00 : f32
    %broadcast_in_dim3A_3 = vector.broadcast %broadcast_in_dim3A : f32 to vector<16xf32>
    %broadcast_in_dim3A_4 = arith.constant 1.000000e+00 : f32
    %broadcast_in_dim3A_5 = vector.broadcast %broadcast_in_dim3A_4 : f32 to vector<16xf32>
    "tpu.region"() ({
      %run_scoped3A = tpu.sem_alloc : memref<!tpu.dma_semaphore, #tpu.memory_space<semaphore_mem>>
      %dma_start3A = arith.constant 0 : i32
      %dma_start3A_18 = tpu.memref_slice %arg7[%mul3A_2, %dma_start3A] : memref<10112x128xf32, #tpu.memory_space<vmem_shared>> -> memref<632x128xf32, #tpu.memory_space<vmem_shared>>
      %dma_start3A_19 = arith.constant 0 : i32
      %dma_start3A_20 = tpu.memref_slice %arg2[%mul3A_2, %dma_start3A_19] : memref<10112x128xf32, #tpu.memory_space<hbm>> -> memref<632x128xf32, #tpu.memory_space<hbm>>
      tpu.enqueue_dma source(%dma_start3A_20 : memref<632x128xf32, #tpu.memory_space<hbm>>) target(%dma_start3A_18 : memref<632x128xf32, #tpu.memory_space<vmem_shared>>) target_semaphore(%run_scoped3A : memref<!tpu.dma_semaphore, #tpu.memory_space<semaphore_mem>>)
      %dma_wait3A = arith.constant 0 : i32
      %dma_wait3A_21 = tpu.memref_slice %arg7[%mul3A_2, %dma_wait3A] : memref<10112x128xf32, #tpu.memory_space<vmem_shared>> -> memref<632x128xf32, #tpu.memory_space<vmem_shared>>
      %dma_wait3A_22 = arith.constant 0 : i32
      %dma_wait3A_23 = tpu.memref_slice %arg2[%mul3A_2, %dma_wait3A_22] : memref<10112x128xf32, #tpu.memory_space<hbm>> -> memref<632x128xf32, #tpu.memory_space<hbm>>
      tpu.wait_dma2 semaphore(%run_scoped3A : memref<!tpu.dma_semaphore, #tpu.memory_space<semaphore_mem>>) src(%dma_wait3A_23 : memref<632x128xf32, #tpu.memory_space<hbm>>) dst(%dma_wait3A_21 : memref<632x128xf32, #tpu.memory_space<vmem_shared>>)
      tpu.yield
    }) : () -> ()
    %scan3A = arith.constant 0 : i32
    %scan3A_6 = arith.constant 0 : i32
    %scan3A_7 = arith.constant 128 : i32
    %scan3A_8 = arith.addi %scan3A_6, %scan3A_7 : i32
    %scan3A_9 = arith.constant 1 : i32
    scf.for %scan3A_18 = %scan3A_6 to %scan3A_8 step %scan3A_9  : i32 {
      %swap3A = arith.index_cast %scan3A_18 : i32 to index
      %swap3A_19 = arith.constant 0 : index
      %swap3A_20 = tpu.vector_load %arg12[%swap3A, %swap3A_19] {strides = array<i32>} : memref<128x128xf32, #tpu.memory_space<vmem>>, vector<16xf32>,
      tpu.vector_store %arg12[%swap3A, %swap3A_19], %broadcast_in_dim3A_3 {strides = array<i32>} : memref<128x128xf32, #tpu.memory_space<vmem>>, vector<16xf32>,
      %swap3A_21 = arith.index_cast %scan3A_18 : i32 to index
      %swap3A_22 = arith.constant 16 : index
      %swap3A_23 = tpu.vector_load %arg12[%swap3A_21, %swap3A_22] {strides = array<i32>} : memref<128x128xf32, #tpu.memory_space<vmem>>, vector<16xf32>,
      tpu.vector_store %arg12[%swap3A_21, %swap3A_22], %broadcast_in_dim3A_3 {strides = array<i32>} : memref<128x128xf32, #tpu.memory_space<vmem>>, vector<16xf32>,
      %swap3A_24 = arith.index_cast %scan3A_18 : i32 to index
      %swap3A_25 = arith.constant 32 : index
      %swap3A_26 = tpu.vector_load %arg12[%swap3A_24, %swap3A_25] {strides = array<i32>} : memref<128x128xf32, #tpu.memory_space<vmem>>, vector<16xf32>,
      tpu.vector_store %arg12[%swap3A_24, %swap3A_25], %broadcast_in_dim3A_3 {strides = array<i32>} : memref<128x128xf32, #tpu.memory_space<vmem>>, vector<16xf32>,
      %swap3A_27 = arith.index_cast %scan3A_18 : i32 to index
      %swap3A_28 = arith.constant 48 : index
      %swap3A_29 = tpu.vector_load %arg12[%swap3A_27, %swap3A_28] {strides = array<i32>} : memref<128x128xf32, #tpu.memory_space<vmem>>, vector<16xf32>,
      tpu.vector_store %arg12[%swap3A_27, %swap3A_28], %broadcast_in_dim3A_3 {strides = array<i32>} : memref<128x128xf32, #tpu.memory_space<vmem>>, vector<16xf32>,
      %swap3A_30 = arith.index_cast %scan3A_18 : i32 to index
      %swap3A_31 = arith.constant 64 : index
      %swap3A_32 = tpu.vector_load %arg12[%swap3A_30, %swap3A_31] {strides = array<i32>} : memref<128x128xf32, #tpu.memory_space<vmem>>, vector<16xf32>,
      tpu.vector_store %arg12[%swap3A_30, %swap3A_31], %broadcast_in_dim3A_3 {strides = array<i32>} : memref<128x128xf32, #tpu.memory_space<vmem>>, vector<16xf32>,
      %swap3A_33 = arith.index_cast %scan3A_18 : i32 to index
      %swap3A_34 = arith.constant 80 : index
      %swap3A_35 = tpu.vector_load %arg12[%swap3A_33, %swap3A_34] {strides = array<i32>} : memref<128x128xf32, #tpu.memory_space<vmem>>, vector<16xf32>,
      tpu.vector_store %arg12[%swap3A_33, %swap3A_34], %broadcast_in_dim3A_3 {strides = array<i32>} : memref<128x128xf32, #tpu.memory_space<vmem>>, vector<16xf32>,
      %swap3A_36 = arith.index_cast %scan3A_18 : i32 to index
      %swap3A_37 = arith.constant 96 : index
      %swap3A_38 = tpu.vector_load %arg12[%swap3A_36, %swap3A_37] {strides = array<i32>} : memref<128x128xf32, #tpu.memory_space<vmem>>, vector<16xf32>,
      tpu.vector_store %arg12[%swap3A_36, %swap3A_37], %broadcast_in_dim3A_3 {strides = array<i32>} : memref<128x128xf32, #tpu.memory_space<vmem>>, vector<16xf32>,
      %swap3A_39 = arith.index_cast %scan3A_18 : i32 to index
      %swap3A_40 = arith.constant 112 : index
      %swap3A_41 = tpu.vector_load %arg12[%swap3A_39, %swap3A_40] {strides = array<i32>} : memref<128x128xf32, #tpu.memory_space<vmem>>, vector<16xf32>,
      tpu.vector_store %arg12[%swap3A_39, %swap3A_40], %broadcast_in_dim3A_3 {strides = array<i32>} : memref<128x128xf32, #tpu.memory_space<vmem>>, vector<16xf32>,
    }
    %scan3A_10 = arith.constant 128 : i32
    %barrier3A = arith.constant 0 : index
    tpu.barrier barrier_id(%barrier3A)
    %scan3A_11 = arith.constant 0 : i32
    %scan3A_12 = arith.constant 0 : i32
    %scan3A_13 = arith.constant 79 : i32
    %scan3A_14 = arith.addi %scan3A_12, %scan3A_13 : i32
    %scan3A_15 = arith.constant 1 : i32
    scf.for %scan3A_18 = %scan3A_12 to %scan3A_14 step %scan3A_15  : i32 {
      %mul3A_19 = arith.constant 79 : i32
      %mul3A_20 = arith.muli %add3A, %mul3A_19 : i32
      %add3A_21 = arith.addi %mul3A_20, %scan3A_18 : i32
      "tpu.region"() ({
        %run_scoped3A = tpu.sem_alloc : memref<!tpu.dma_semaphore, #tpu.memory_space<semaphore_mem>>
        %dma_start3A_214 = arith.constant 0 : i32
        %dma_start3A_215 = tpu.memref_slice %arg4[%add3A_21, %dma_start3A_214] : memref<2528x128xi32, #tpu.memory_space<hbm>> -> memref<1x128xi32, #tpu.memory_space<hbm>>
        %dma_start3A_216 = tpu.memref_squeeze %dma_start3A_215 : memref<1x128xi32, #tpu.memory_space<hbm>> -> memref<128xi32, #tpu.memory_space<hbm>>
        %dma_start3A_217 = arith.constant 0 : i32
        %dma_start3A_218 = tpu.memref_slice %arg4[%add3A_21, %dma_start3A_217] : memref<2528x128xi32, #tpu.memory_space<hbm>> -> memref<1x128xi32, #tpu.memory_space<hbm>>
        %dma_start3A_219 = tpu.memref_squeeze %dma_start3A_218 : memref<1x128xi32, #tpu.memory_space<hbm>> -> memref<128xi32, #tpu.memory_space<hbm>>
        tpu.enqueue_dma source(%dma_start3A_219 : memref<128xi32, #tpu.memory_space<hbm>>) target(%arg8 : memref<128xi32, #tpu.memory_space<vmem>>) target_semaphore(%run_scoped3A : memref<!tpu.dma_semaphore, #tpu.memory_space<semaphore_mem>>)
        %dma_wait3A_220 = arith.constant 0 : i32
        %dma_wait3A_221 = tpu.memref_slice %arg4[%add3A_21, %dma_wait3A_220] : memref<2528x128xi32, #tpu.memory_space<hbm>> -> memref<1x128xi32, #tpu.memory_space<hbm>>
        %dma_wait3A_222 = tpu.memref_squeeze %dma_wait3A_221 : memref<1x128xi32, #tpu.memory_space<hbm>> -> memref<128xi32, #tpu.memory_space<hbm>>
        %dma_wait3A_223 = arith.constant 0 : i32
        %dma_wait3A_224 = tpu.memref_slice %arg4[%add3A_21, %dma_wait3A_223] : memref<2528x128xi32, #tpu.memory_space<hbm>> -> memref<1x128xi32, #tpu.memory_space<hbm>>
        %dma_wait3A_225 = tpu.memref_squeeze %dma_wait3A_224 : memref<1x128xi32, #tpu.memory_space<hbm>> -> memref<128xi32, #tpu.memory_space<hbm>>
        tpu.wait_dma2 semaphore(%run_scoped3A : memref<!tpu.dma_semaphore, #tpu.memory_space<semaphore_mem>>) src(%dma_wait3A_225 : memref<128xi32, #tpu.memory_space<hbm>>) dst(%arg8 : memref<128xi32, #tpu.memory_space<vmem>>)
        tpu.yield
      }) : () -> ()
      "tpu.region"() ({
        %run_scoped3A = tpu.sem_alloc : memref<!tpu.dma_semaphore, #tpu.memory_space<semaphore_mem>>
        %dma_start3A_214 = arith.constant 0 : i32
        %dma_start3A_215 = tpu.memref_slice %arg5[%add3A_21, %dma_start3A_214] : memref<2528x128xi32, #tpu.memory_space<hbm>> -> memref<1x128xi32, #tpu.memory_space<hbm>>
        %dma_start3A_216 = tpu.memref_squeeze %dma_start3A_215 : memref<1x128xi32, #tpu.memory_space<hbm>> -> memref<128xi32, #tpu.memory_space<hbm>>
        %dma_start3A_217 = arith.constant 0 : i32
        %dma_start3A_218 = tpu.memref_slice %arg5[%add3A_21, %dma_start3A_217] : memref<2528x128xi32, #tpu.memory_space<hbm>> -> memref<1x128xi32, #tpu.memory_space<hbm>>
        %dma_start3A_219 = tpu.memref_squeeze %dma_start3A_218 : memref<1x128xi32, #tpu.memory_space<hbm>> -> memref<128xi32, #tpu.memory_space<hbm>>
        tpu.enqueue_dma source(%dma_start3A_219 : memref<128xi32, #tpu.memory_space<hbm>>) target(%arg9 : memref<128xi32, #tpu.memory_space<vmem>>) target_semaphore(%run_scoped3A : memref<!tpu.dma_semaphore, #tpu.memory_space<semaphore_mem>>)
        %dma_wait3A_220 = arith.constant 0 : i32
        %dma_wait3A_221 = tpu.memref_slice %arg5[%add3A_21, %dma_wait3A_220] : memref<2528x128xi32, #tpu.memory_space<hbm>> -> memref<1x128xi32, #tpu.memory_space<hbm>>
        %dma_wait3A_222 = tpu.memref_squeeze %dma_wait3A_221 : memref<1x128xi32, #tpu.memory_space<hbm>> -> memref<128xi32, #tpu.memory_space<hbm>>
        %dma_wait3A_223 = arith.constant 0 : i32
        %dma_wait3A_224 = tpu.memref_slice %arg5[%add3A_21, %dma_wait3A_223] : memref<2528x128xi32, #tpu.memory_space<hbm>> -> memref<1x128xi32, #tpu.memory_space<hbm>>
        %dma_wait3A_225 = tpu.memref_squeeze %dma_wait3A_224 : memref<1x128xi32, #tpu.memory_space<hbm>> -> memref<128xi32, #tpu.memory_space<hbm>>
        tpu.wait_dma2 semaphore(%run_scoped3A : memref<!tpu.dma_semaphore, #tpu.memory_space<semaphore_mem>>) src(%dma_wait3A_225 : memref<128xi32, #tpu.memory_space<hbm>>) dst(%arg9 : memref<128xi32, #tpu.memory_space<vmem>>)
        tpu.yield
      }) : () -> ()
      %dma_start3A = arith.constant 0 : i32
      %dma_start3A_22 = arith.constant 0 : i32
      %dma_start3A_23 = tpu.memref_slice %arg3[%dma_start3A, %dma_start3A_22] : memref<10112x128xf32, #tpu.memory_space<hbm>> -> memref<10112x128xf32, #tpu.memory_space<hbm>>
      tpu.enqueue_indirect_dma source(%dma_start3A_23 : memref<10112x128xf32, #tpu.memory_space<hbm>>) target(%arg10 : memref<128x128xf32, #tpu.memory_space<vmem>>) offsets(%arg8 : memref<128xi32, #tpu.memory_space<vmem>>) semaphore(%arg11 : memref<!tpu.dma_semaphore, #tpu.memory_space<semaphore_mem>>)
      %dma_wait3A = arith.constant 0 : i32
      %dma_wait3A_24 = arith.constant 0 : i32
      %dma_wait3A_25 = tpu.memref_slice %arg3[%dma_wait3A, %dma_wait3A_24] : memref<10112x128xf32, #tpu.memory_space<hbm>> -> memref<10112x128xf32, #tpu.memory_space<hbm>>
      tpu.wait_indirect_dma semaphore(%arg11 : memref<!tpu.dma_semaphore, #tpu.memory_space<semaphore_mem>>) src(%dma_wait3A_25 : memref<10112x128xf32, #tpu.memory_space<hbm>>) dst(%arg10 : memref<128x128xf32, #tpu.memory_space<vmem>>)
      "tpu.region"() ({
        %run_scoped3A = tpu.sem_alloc : memref<!tpu.dma_semaphore, #tpu.memory_space<semaphore_mem>>
        %dma_start3A_214 = arith.constant 0 : i32
        %dma_start3A_215 = arith.constant 0 : i32
        %dma_start3A_216 = tpu.memref_slice %arg7[%dma_start3A_214, %dma_start3A_215] : memref<10112x128xf32, #tpu.memory_space<vmem_shared>> -> memref<10112x128xf32, #tpu.memory_space<vmem_shared>>
        tpu.enqueue_indirect_dma source(%arg10 : memref<128x128xf32, #tpu.memory_space<vmem>>) target(%dma_start3A_216 : memref<10112x128xf32, #tpu.memory_space<vmem_shared>>) offsets(%arg9 : memref<128xi32, #tpu.memory_space<vmem>>) semaphore(%run_scoped3A : memref<!tpu.dma_semaphore, #tpu.memory_space<semaphore_mem>>) {add = true}
        %dma_wait3A_217 = arith.constant 0 : i32
        %dma_wait3A_218 = arith.constant 0 : i32
        %dma_wait3A_219 = tpu.memref_slice %arg7[%dma_wait3A_217, %dma_wait3A_218] : memref<10112x128xf32, #tpu.memory_space<vmem_shared>> -> memref<10112x128xf32, #tpu.memory_space<vmem_shared>>
        tpu.wait_indirect_dma semaphore(%run_scoped3A : memref<!tpu.dma_semaphore, #tpu.memory_space<semaphore_mem>>) src(%arg10 : memref<128x128xf32, #tpu.memory_space<vmem>>) dst(%dma_wait3A_219 : memref<10112x128xf32, #tpu.memory_space<vmem_shared>>)
        tpu.yield
      }) : () -> ()
      %get3A = arith.constant 0 : index
      %get3A_26 = tpu.vector_load %arg9[%get3A] {strides = array<i32>} : memref<128xi32, #tpu.memory_space<vmem>>, vector<16xi32>,
      %add3A_27 = arith.constant 0 : i32
      %add3A_28 = vector.broadcast %add3A_27 : i32 to vector<16xi32>
      %add3A_29 = arith.addi %add3A_28, %iota3A : vector<16xi32>
      %and3A = arith.constant 127 : i32
      %and3A_30 = vector.broadcast %and3A : i32 to vector<16xi32>
      %and3A_31 = arith.andi %get3A_26, %and3A_30 : vector<16xi32>
      tpu.vector_store_idx %arg12[%add3A_29, %and3A_31], %broadcast_in_dim3A_5 : memref<128x128xf32, #tpu.memory_space<vmem>>[vector<16xi32>, vector<16xi32>], vector<16xf32>,
      %shift_right_logical3A = arith.constant 7 : i32
      %shift_right_logical3A_32 = vector.broadcast %shift_right_logical3A : i32 to vector<16xi32>
      %shift_right_logical3A_33 = arith.shrui %get3A_26, %shift_right_logical3A_32 : vector<16xi32>
      %add3A_34 = arith.constant 10016 : i32
      %add3A_35 = vector.broadcast %add3A_34 : i32 to vector<16xi32>
      %add3A_36 = arith.addi %add3A_35, %shift_right_logical3A_33 : vector<16xi32>
      %swap3A = arith.constant 0 : index
      %swap3A_37 = tpu.vector_load %arg13[%swap3A] {strides = array<i32>} : memref<128xi32, #tpu.memory_space<vmem>>, vector<16xi32>,
      tpu.vector_store %arg13[%swap3A], %add3A_36 {strides = array<i32>} : memref<128xi32, #tpu.memory_space<vmem>>, vector<16xi32>,
      %get3A_38 = arith.constant 16 : index
      %get3A_39 = tpu.vector_load %arg9[%get3A_38] {strides = array<i32>} : memref<128xi32, #tpu.memory_space<vmem>>, vector<16xi32>,
      %add3A_40 = arith.constant 16 : i32
      %add3A_41 = vector.broadcast %add3A_40 : i32 to vector<16xi32>
      %add3A_42 = arith.addi %add3A_41, %iota3A : vector<16xi32>
      %and3A_43 = arith.constant 127 : i32
      %and3A_44 = vector.broadcast %and3A_43 : i32 to vector<16xi32>
      %and3A_45 = arith.andi %get3A_39, %and3A_44 : vector<16xi32>
      tpu.vector_store_idx %arg12[%add3A_42, %and3A_45], %broadcast_in_dim3A_5 : memref<128x128xf32, #tpu.memory_space<vmem>>[vector<16xi32>, vector<16xi32>], vector<16xf32>,
      %shift_right_logical3A_46 = arith.constant 7 : i32
      %shift_right_logical3A_47 = vector.broadcast %shift_right_logical3A_46 : i32 to vector<16xi32>
      %shift_right_logical3A_48 = arith.shrui %get3A_39, %shift_right_logical3A_47 : vector<16xi32>
      %add3A_49 = arith.constant 10016 : i32
      %add3A_50 = vector.broadcast %add3A_49 : i32 to vector<16xi32>
      %add3A_51 = arith.addi %add3A_50, %shift_right_logical3A_48 : vector<16xi32>
      %swap3A_52 = arith.constant 16 : index
      %swap3A_53 = tpu.vector_load %arg13[%swap3A_52] {strides = array<i32>} : memref<128xi32, #tpu.memory_space<vmem>>, vector<16xi32>,
      tpu.vector_store %arg13[%swap3A_52], %add3A_51 {strides = array<i32>} : memref<128xi32, #tpu.memory_space<vmem>>, vector<16xi32>,
      %get3A_54 = arith.constant 32 : index
      %get3A_55 = tpu.vector_load %arg9[%get3A_54] {strides = array<i32>} : memref<128xi32, #tpu.memory_space<vmem>>, vector<16xi32>,
      %add3A_56 = arith.constant 32 : i32
      %add3A_57 = vector.broadcast %add3A_56 : i32 to vector<16xi32>
      %add3A_58 = arith.addi %add3A_57, %iota3A : vector<16xi32>
      %and3A_59 = arith.constant 127 : i32
      %and3A_60 = vector.broadcast %and3A_59 : i32 to vector<16xi32>
      %and3A_61 = arith.andi %get3A_55, %and3A_60 : vector<16xi32>
      tpu.vector_store_idx %arg12[%add3A_58, %and3A_61], %broadcast_in_dim3A_5 : memref<128x128xf32, #tpu.memory_space<vmem>>[vector<16xi32>, vector<16xi32>], vector<16xf32>,
      %shift_right_logical3A_62 = arith.constant 7 : i32
      %shift_right_logical3A_63 = vector.broadcast %shift_right_logical3A_62 : i32 to vector<16xi32>
      %shift_right_logical3A_64 = arith.shrui %get3A_55, %shift_right_logical3A_63 : vector<16xi32>
      %add3A_65 = arith.constant 10016 : i32
      %add3A_66 = vector.broadcast %add3A_65 : i32 to vector<16xi32>
      %add3A_67 = arith.addi %add3A_66, %shift_right_logical3A_64 : vector<16xi32>
      %swap3A_68 = arith.constant 32 : index
      %swap3A_69 = tpu.vector_load %arg13[%swap3A_68] {strides = array<i32>} : memref<128xi32, #tpu.memory_space<vmem>>, vector<16xi32>,
      tpu.vector_store %arg13[%swap3A_68], %add3A_67 {strides = array<i32>} : memref<128xi32, #tpu.memory_space<vmem>>, vector<16xi32>,
      %get3A_70 = arith.constant 48 : index
      %get3A_71 = tpu.vector_load %arg9[%get3A_70] {strides = array<i32>} : memref<128xi32, #tpu.memory_space<vmem>>, vector<16xi32>,
      %add3A_72 = arith.constant 48 : i32
      %add3A_73 = vector.broadcast %add3A_72 : i32 to vector<16xi32>
      %add3A_74 = arith.addi %add3A_73, %iota3A : vector<16xi32>
      %and3A_75 = arith.constant 127 : i32
      %and3A_76 = vector.broadcast %and3A_75 : i32 to vector<16xi32>
      %and3A_77 = arith.andi %get3A_71, %and3A_76 : vector<16xi32>
      tpu.vector_store_idx %arg12[%add3A_74, %and3A_77], %broadcast_in_dim3A_5 : memref<128x128xf32, #tpu.memory_space<vmem>>[vector<16xi32>, vector<16xi32>], vector<16xf32>,
      %shift_right_logical3A_78 = arith.constant 7 : i32
      %shift_right_logical3A_79 = vector.broadcast %shift_right_logical3A_78 : i32 to vector<16xi32>
      %shift_right_logical3A_80 = arith.shrui %get3A_71, %shift_right_logical3A_79 : vector<16xi32>
      %add3A_81 = arith.constant 10016 : i32
      %add3A_82 = vector.broadcast %add3A_81 : i32 to vector<16xi32>
      %add3A_83 = arith.addi %add3A_82, %shift_right_logical3A_80 : vector<16xi32>
      %swap3A_84 = arith.constant 48 : index
      %swap3A_85 = tpu.vector_load %arg13[%swap3A_84] {strides = array<i32>} : memref<128xi32, #tpu.memory_space<vmem>>, vector<16xi32>,
      tpu.vector_store %arg13[%swap3A_84], %add3A_83 {strides = array<i32>} : memref<128xi32, #tpu.memory_space<vmem>>, vector<16xi32>,
      %get3A_86 = arith.constant 64 : index
      %get3A_87 = tpu.vector_load %arg9[%get3A_86] {strides = array<i32>} : memref<128xi32, #tpu.memory_space<vmem>>, vector<16xi32>,
      %add3A_88 = arith.constant 64 : i32
      %add3A_89 = vector.broadcast %add3A_88 : i32 to vector<16xi32>
      %add3A_90 = arith.addi %add3A_89, %iota3A : vector<16xi32>
      %and3A_91 = arith.constant 127 : i32
      %and3A_92 = vector.broadcast %and3A_91 : i32 to vector<16xi32>
      %and3A_93 = arith.andi %get3A_87, %and3A_92 : vector<16xi32>
      tpu.vector_store_idx %arg12[%add3A_90, %and3A_93], %broadcast_in_dim3A_5 : memref<128x128xf32, #tpu.memory_space<vmem>>[vector<16xi32>, vector<16xi32>], vector<16xf32>,
      %shift_right_logical3A_94 = arith.constant 7 : i32
      %shift_right_logical3A_95 = vector.broadcast %shift_right_logical3A_94 : i32 to vector<16xi32>
      %shift_right_logical3A_96 = arith.shrui %get3A_87, %shift_right_logical3A_95 : vector<16xi32>
      %add3A_97 = arith.constant 10016 : i32
      %add3A_98 = vector.broadcast %add3A_97 : i32 to vector<16xi32>
      %add3A_99 = arith.addi %add3A_98, %shift_right_logical3A_96 : vector<16xi32>
      %swap3A_100 = arith.constant 64 : index
      %swap3A_101 = tpu.vector_load %arg13[%swap3A_100] {strides = array<i32>} : memref<128xi32, #tpu.memory_space<vmem>>, vector<16xi32>,
      tpu.vector_store %arg13[%swap3A_100], %add3A_99 {strides = array<i32>} : memref<128xi32, #tpu.memory_space<vmem>>, vector<16xi32>,
      %get3A_102 = arith.constant 80 : index
      %get3A_103 = tpu.vector_load %arg9[%get3A_102] {strides = array<i32>} : memref<128xi32, #tpu.memory_space<vmem>>, vector<16xi32>,
      %add3A_104 = arith.constant 80 : i32
      %add3A_105 = vector.broadcast %add3A_104 : i32 to vector<16xi32>
      %add3A_106 = arith.addi %add3A_105, %iota3A : vector<16xi32>
      %and3A_107 = arith.constant 127 : i32
      %and3A_108 = vector.broadcast %and3A_107 : i32 to vector<16xi32>
      %and3A_109 = arith.andi %get3A_103, %and3A_108 : vector<16xi32>
      tpu.vector_store_idx %arg12[%add3A_106, %and3A_109], %broadcast_in_dim3A_5 : memref<128x128xf32, #tpu.memory_space<vmem>>[vector<16xi32>, vector<16xi32>], vector<16xf32>,
      %shift_right_logical3A_110 = arith.constant 7 : i32
      %shift_right_logical3A_111 = vector.broadcast %shift_right_logical3A_110 : i32 to vector<16xi32>
      %shift_right_logical3A_112 = arith.shrui %get3A_103, %shift_right_logical3A_111 : vector<16xi32>
      %add3A_113 = arith.constant 10016 : i32
      %add3A_114 = vector.broadcast %add3A_113 : i32 to vector<16xi32>
      %add3A_115 = arith.addi %add3A_114, %shift_right_logical3A_112 : vector<16xi32>
      %swap3A_116 = arith.constant 80 : index
      %swap3A_117 = tpu.vector_load %arg13[%swap3A_116] {strides = array<i32>} : memref<128xi32, #tpu.memory_space<vmem>>, vector<16xi32>,
      tpu.vector_store %arg13[%swap3A_116], %add3A_115 {strides = array<i32>} : memref<128xi32, #tpu.memory_space<vmem>>, vector<16xi32>,
      %get3A_118 = arith.constant 96 : index
      %get3A_119 = tpu.vector_load %arg9[%get3A_118] {strides = array<i32>} : memref<128xi32, #tpu.memory_space<vmem>>, vector<16xi32>,
      %add3A_120 = arith.constant 96 : i32
      %add3A_121 = vector.broadcast %add3A_120 : i32 to vector<16xi32>
      %add3A_122 = arith.addi %add3A_121, %iota3A : vector<16xi32>
      %and3A_123 = arith.constant 127 : i32
      %and3A_124 = vector.broadcast %and3A_123 : i32 to vector<16xi32>
      %and3A_125 = arith.andi %get3A_119, %and3A_124 : vector<16xi32>
      tpu.vector_store_idx %arg12[%add3A_122, %and3A_125], %broadcast_in_dim3A_5 : memref<128x128xf32, #tpu.memory_space<vmem>>[vector<16xi32>, vector<16xi32>], vector<16xf32>,
      %shift_right_logical3A_126 = arith.constant 7 : i32
      %shift_right_logical3A_127 = vector.broadcast %shift_right_logical3A_126 : i32 to vector<16xi32>
      %shift_right_logical3A_128 = arith.shrui %get3A_119, %shift_right_logical3A_127 : vector<16xi32>
      %add3A_129 = arith.constant 10016 : i32
      %add3A_130 = vector.broadcast %add3A_129 : i32 to vector<16xi32>
      %add3A_131 = arith.addi %add3A_130, %shift_right_logical3A_128 : vector<16xi32>
      %swap3A_132 = arith.constant 96 : index
      %swap3A_133 = tpu.vector_load %arg13[%swap3A_132] {strides = array<i32>} : memref<128xi32, #tpu.memory_space<vmem>>, vector<16xi32>,
      tpu.vector_store %arg13[%swap3A_132], %add3A_131 {strides = array<i32>} : memref<128xi32, #tpu.memory_space<vmem>>, vector<16xi32>,
      %get3A_134 = arith.constant 112 : index
      %get3A_135 = tpu.vector_load %arg9[%get3A_134] {strides = array<i32>} : memref<128xi32, #tpu.memory_space<vmem>>, vector<16xi32>,
      %add3A_136 = arith.constant 112 : i32
      %add3A_137 = vector.broadcast %add3A_136 : i32 to vector<16xi32>
      %add3A_138 = arith.addi %add3A_137, %iota3A : vector<16xi32>
      %and3A_139 = arith.constant 127 : i32
      %and3A_140 = vector.broadcast %and3A_139 : i32 to vector<16xi32>
      %and3A_141 = arith.andi %get3A_135, %and3A_140 : vector<16xi32>
      tpu.vector_store_idx %arg12[%add3A_138, %and3A_141], %broadcast_in_dim3A_5 : memref<128x128xf32, #tpu.memory_space<vmem>>[vector<16xi32>, vector<16xi32>], vector<16xf32>,
      %shift_right_logical3A_142 = arith.constant 7 : i32
      %shift_right_logical3A_143 = vector.broadcast %shift_right_logical3A_142 : i32 to vector<16xi32>
      %shift_right_logical3A_144 = arith.shrui %get3A_135, %shift_right_logical3A_143 : vector<16xi32>
      %add3A_145 = arith.constant 10016 : i32
      %add3A_146 = vector.broadcast %add3A_145 : i32 to vector<16xi32>
      %add3A_147 = arith.addi %add3A_146, %shift_right_logical3A_144 : vector<16xi32>
      %swap3A_148 = arith.constant 112 : index
      %swap3A_149 = tpu.vector_load %arg13[%swap3A_148] {strides = array<i32>} : memref<128xi32, #tpu.memory_space<vmem>>, vector<16xi32>,
      tpu.vector_store %arg13[%swap3A_148], %add3A_147 {strides = array<i32>} : memref<128xi32, #tpu.memory_space<vmem>>, vector<16xi32>,
      "tpu.region"() ({
        %run_scoped3A = tpu.sem_alloc : memref<!tpu.dma_semaphore, #tpu.memory_space<semaphore_mem>>
        %dma_start3A_214 = arith.constant 0 : i32
        %dma_start3A_215 = arith.constant 0 : i32
        %dma_start3A_216 = tpu.memref_slice %arg7[%dma_start3A_214, %dma_start3A_215] : memref<10112x128xf32, #tpu.memory_space<vmem_shared>> -> memref<10112x128xf32, #tpu.memory_space<vmem_shared>>
        tpu.enqueue_indirect_dma source(%arg12 : memref<128x128xf32, #tpu.memory_space<vmem>>) target(%dma_start3A_216 : memref<10112x128xf32, #tpu.memory_space<vmem_shared>>) offsets(%arg13 : memref<128xi32, #tpu.memory_space<vmem>>) semaphore(%run_scoped3A : memref<!tpu.dma_semaphore, #tpu.memory_space<semaphore_mem>>) {add = true}
        %dma_wait3A_217 = arith.constant 0 : i32
        %dma_wait3A_218 = arith.constant 0 : i32
        %dma_wait3A_219 = tpu.memref_slice %arg7[%dma_wait3A_217, %dma_wait3A_218] : memref<10112x128xf32, #tpu.memory_space<vmem_shared>> -> memref<10112x128xf32, #tpu.memory_space<vmem_shared>>
        tpu.wait_indirect_dma semaphore(%run_scoped3A : memref<!tpu.dma_semaphore, #tpu.memory_space<semaphore_mem>>) src(%arg12 : memref<128x128xf32, #tpu.memory_space<vmem>>) dst(%dma_wait3A_219 : memref<10112x128xf32, #tpu.memory_space<vmem_shared>>)
        tpu.yield
      }) : () -> ()
      %get3A_150 = arith.constant 0 : index
      %get3A_151 = tpu.vector_load %arg9[%get3A_150] {strides = array<i32>} : memref<128xi32, #tpu.memory_space<vmem>>, vector<16xi32>,
      %add3A_152 = arith.constant 0 : i32
      %add3A_153 = vector.broadcast %add3A_152 : i32 to vector<16xi32>
      %add3A_154 = arith.addi %add3A_153, %iota3A : vector<16xi32>
      %and3A_155 = arith.constant 127 : i32
      %and3A_156 = vector.broadcast %and3A_155 : i32 to vector<16xi32>
      %and3A_157 = arith.andi %get3A_151, %and3A_156 : vector<16xi32>
      tpu.vector_store_idx %arg12[%add3A_154, %and3A_157], %broadcast_in_dim3A_3 : memref<128x128xf32, #tpu.memory_space<vmem>>[vector<16xi32>, vector<16xi32>], vector<16xf32>,
      %get3A_158 = arith.constant 16 : index
      %get3A_159 = tpu.vector_load %arg9[%get3A_158] {strides = array<i32>} : memref<128xi32, #tpu.memory_space<vmem>>, vector<16xi32>,
      %add3A_160 = arith.constant 16 : i32
      %add3A_161 = vector.broadcast %add3A_160 : i32 to vector<16xi32>
      %add3A_162 = arith.addi %add3A_161, %iota3A : vector<16xi32>
      %and3A_163 = arith.constant 127 : i32
      %and3A_164 = vector.broadcast %and3A_163 : i32 to vector<16xi32>
      %and3A_165 = arith.andi %get3A_159, %and3A_164 : vector<16xi32>
      tpu.vector_store_idx %arg12[%add3A_162, %and3A_165], %broadcast_in_dim3A_3 : memref<128x128xf32, #tpu.memory_space<vmem>>[vector<16xi32>, vector<16xi32>], vector<16xf32>,
      %get3A_166 = arith.constant 32 : index
      %get3A_167 = tpu.vector_load %arg9[%get3A_166] {strides = array<i32>} : memref<128xi32, #tpu.memory_space<vmem>>, vector<16xi32>,
      %add3A_168 = arith.constant 32 : i32
      %add3A_169 = vector.broadcast %add3A_168 : i32 to vector<16xi32>
      %add3A_170 = arith.addi %add3A_169, %iota3A : vector<16xi32>
      %and3A_171 = arith.constant 127 : i32
      %and3A_172 = vector.broadcast %and3A_171 : i32 to vector<16xi32>
      %and3A_173 = arith.andi %get3A_167, %and3A_172 : vector<16xi32>
      tpu.vector_store_idx %arg12[%add3A_170, %and3A_173], %broadcast_in_dim3A_3 : memref<128x128xf32, #tpu.memory_space<vmem>>[vector<16xi32>, vector<16xi32>], vector<16xf32>,
      %get3A_174 = arith.constant 48 : index
      %get3A_175 = tpu.vector_load %arg9[%get3A_174] {strides = array<i32>} : memref<128xi32, #tpu.memory_space<vmem>>, vector<16xi32>,
      %add3A_176 = arith.constant 48 : i32
      %add3A_177 = vector.broadcast %add3A_176 : i32 to vector<16xi32>
      %add3A_178 = arith.addi %add3A_177, %iota3A : vector<16xi32>
      %and3A_179 = arith.constant 127 : i32
      %and3A_180 = vector.broadcast %and3A_179 : i32 to vector<16xi32>
      %and3A_181 = arith.andi %get3A_175, %and3A_180 : vector<16xi32>
      tpu.vector_store_idx %arg12[%add3A_178, %and3A_181], %broadcast_in_dim3A_3 : memref<128x128xf32, #tpu.memory_space<vmem>>[vector<16xi32>, vector<16xi32>], vector<16xf32>,
      %get3A_182 = arith.constant 64 : index
      %get3A_183 = tpu.vector_load %arg9[%get3A_182] {strides = array<i32>} : memref<128xi32, #tpu.memory_space<vmem>>, vector<16xi32>,
      %add3A_184 = arith.constant 64 : i32
      %add3A_185 = vector.broadcast %add3A_184 : i32 to vector<16xi32>
      %add3A_186 = arith.addi %add3A_185, %iota3A : vector<16xi32>
      %and3A_187 = arith.constant 127 : i32
      %and3A_188 = vector.broadcast %and3A_187 : i32 to vector<16xi32>
      %and3A_189 = arith.andi %get3A_183, %and3A_188 : vector<16xi32>
      tpu.vector_store_idx %arg12[%add3A_186, %and3A_189], %broadcast_in_dim3A_3 : memref<128x128xf32, #tpu.memory_space<vmem>>[vector<16xi32>, vector<16xi32>], vector<16xf32>,
      %get3A_190 = arith.constant 80 : index
      %get3A_191 = tpu.vector_load %arg9[%get3A_190] {strides = array<i32>} : memref<128xi32, #tpu.memory_space<vmem>>, vector<16xi32>,
      %add3A_192 = arith.constant 80 : i32
      %add3A_193 = vector.broadcast %add3A_192 : i32 to vector<16xi32>
      %add3A_194 = arith.addi %add3A_193, %iota3A : vector<16xi32>
      %and3A_195 = arith.constant 127 : i32
      %and3A_196 = vector.broadcast %and3A_195 : i32 to vector<16xi32>
      %and3A_197 = arith.andi %get3A_191, %and3A_196 : vector<16xi32>
      tpu.vector_store_idx %arg12[%add3A_194, %and3A_197], %broadcast_in_dim3A_3 : memref<128x128xf32, #tpu.memory_space<vmem>>[vector<16xi32>, vector<16xi32>], vector<16xf32>,
      %get3A_198 = arith.constant 96 : index
      %get3A_199 = tpu.vector_load %arg9[%get3A_198] {strides = array<i32>} : memref<128xi32, #tpu.memory_space<vmem>>, vector<16xi32>,
      %add3A_200 = arith.constant 96 : i32
      %add3A_201 = vector.broadcast %add3A_200 : i32 to vector<16xi32>
      %add3A_202 = arith.addi %add3A_201, %iota3A : vector<16xi32>
      %and3A_203 = arith.constant 127 : i32
      %and3A_204 = vector.broadcast %and3A_203 : i32 to vector<16xi32>
      %and3A_205 = arith.andi %get3A_199, %and3A_204 : vector<16xi32>
      tpu.vector_store_idx %arg12[%add3A_202, %and3A_205], %broadcast_in_dim3A_3 : memref<128x128xf32, #tpu.memory_space<vmem>>[vector<16xi32>, vector<16xi32>], vector<16xf32>,
      %get3A_206 = arith.constant 112 : index
      %get3A_207 = tpu.vector_load %arg9[%get3A_206] {strides = array<i32>} : memref<128xi32, #tpu.memory_space<vmem>>, vector<16xi32>,
      %add3A_208 = arith.constant 112 : i32
      %add3A_209 = vector.broadcast %add3A_208 : i32 to vector<16xi32>
      %add3A_210 = arith.addi %add3A_209, %iota3A : vector<16xi32>
      %and3A_211 = arith.constant 127 : i32
      %and3A_212 = vector.broadcast %and3A_211 : i32 to vector<16xi32>
      %and3A_213 = arith.andi %get3A_207, %and3A_212 : vector<16xi32>
      tpu.vector_store_idx %arg12[%add3A_210, %and3A_213], %broadcast_in_dim3A_3 : memref<128x128xf32, #tpu.memory_space<vmem>>[vector<16xi32>, vector<16xi32>], vector<16xf32>,
    }
    %scan3A_16 = arith.constant 79 : i32
    %barrier3A_17 = arith.constant 0 : index
    tpu.barrier barrier_id(%barrier3A_17)
    "tpu.region"() ({
      %run_scoped3A = tpu.sem_alloc : memref<!tpu.dma_semaphore, #tpu.memory_space<semaphore_mem>>
      %dma_start3A = arith.constant 0 : i32
      %dma_start3A_18 = tpu.memref_slice %arg6[%arg0, %mul3A_2, %dma_start3A] : memref<2x10112x128xf32, #tpu.memory_space<hbm>> -> memref<1x632x128xf32, #tpu.memory_space<hbm>>
      %dma_start3A_19 = tpu.memref_squeeze %dma_start3A_18 : memref<1x632x128xf32, #tpu.memory_space<hbm>> -> memref<632x128xf32, #tpu.memory_space<hbm>>
      %dma_start3A_20 = arith.constant 0 : i32
      %dma_start3A_21 = tpu.memref_slice %arg7[%mul3A_2, %dma_start3A_20] : memref<10112x128xf32, #tpu.memory_space<vmem_shared>> -> memref<632x128xf32, #tpu.memory_space<vmem_shared>>
      tpu.enqueue_dma source(%dma_start3A_21 : memref<632x128xf32, #tpu.memory_space<vmem_shared>>) target(%dma_start3A_19 : memref<632x128xf32, #tpu.memory_space<hbm>>) target_semaphore(%run_scoped3A : memref<!tpu.dma_semaphore, #tpu.memory_space<semaphore_mem>>)
      %dma_wait3A = arith.constant 0 : i32
      %dma_wait3A_22 = tpu.memref_slice %arg6[%arg0, %mul3A_2, %dma_wait3A] : memref<2x10112x128xf32, #tpu.memory_space<hbm>> -> memref<1x632x128xf32, #tpu.memory_space<hbm>>
      %dma_wait3A_23 = tpu.memref_squeeze %dma_wait3A_22 : memref<1x632x128xf32, #tpu.memory_space<hbm>> -> memref<632x128xf32, #tpu.memory_space<hbm>>
      %dma_wait3A_24 = arith.constant 0 : i32
      %dma_wait3A_25 = tpu.memref_slice %arg7[%mul3A_2, %dma_wait3A_24] : memref<10112x128xf32, #tpu.memory_space<vmem_shared>> -> memref<632x128xf32, #tpu.memory_space<vmem_shared>>
      tpu.wait_dma2 semaphore(%run_scoped3A : memref<!tpu.dma_semaphore, #tpu.memory_space<semaphore_mem>>) src(%dma_wait3A_25 : memref<632x128xf32, #tpu.memory_space<vmem_shared>>) dst(%dma_wait3A_23 : memref<632x128xf32, #tpu.memory_space<hbm>>)
      tpu.yield
    }) : () -> ()
    return
  }
}

#map = affine_map<(d0, d1) -> (0, 0)>
#map1 = affine_map<(d0, d1) -> (0, 0, 0)>
module attributes {stable_mosaic.version = 14 : i64} {
  func.func @k(%arg0: i32, %arg1: i32, %arg2: memref<10112x128xf32, #tpu.memory_space<hbm>>, %arg3: memref<10112x128xf32, #tpu.memory_space<hbm>>, %arg4: memref<2528x128xi32, #tpu.memory_space<hbm>>, %arg5: memref<2528x128xi32, #tpu.memory_space<hbm>>, %arg6: memref<2x10112x128xf32, #tpu.memory_space<hbm>>, %arg7: memref<10112x128xf32, #tpu.memory_space<vmem_shared>>, %arg8: memref<128xi32, #tpu.memory_space<vmem>>, %arg9: memref<128xi32, #tpu.memory_space<vmem>>, %arg10: memref<128x128xf32, #tpu.memory_space<vmem>>, %arg11: memref<!tpu.dma_semaphore, #tpu.memory_space<semaphore_mem>>) attributes {dimension_semantics = [#tpu.dimension_semantics<core_parallel>, #tpu.dimension_semantics<subcore_parallel>], iteration_bounds = array<i64: 2, 16>, scalar_prefetch = 0 : i64, scratch_operands = 5 : i64, tpu.core_type = #tpu.core_type<sc_vector_subcore>, window_params = [{transform_indices = #map}, {transform_indices = #map}, {transform_indices = #map}, {transform_indices = #map}, {transform_indices = #map1}]} {
    %mul3A = arith.constant 2 : i32
    %mul3A_0 = arith.muli %arg1, %mul3A : i32
    %add3A = arith.addi %mul3A_0, %arg0 : i32
    %mul3A_1 = arith.constant 632 : i32
    %mul3A_2 = arith.muli %arg1, %mul3A_1 : i32
    %iota3A = tpu.iota {dimensions = array<i32: 0>} : vector<16xi32>
    %broadcast_in_dim3A = arith.constant 0.000000e+00 : f32
    %broadcast_in_dim3A_3 = vector.broadcast %broadcast_in_dim3A : f32 to vector<16xf32>
    %broadcast_in_dim3A_4 = arith.constant 1.000000e+00 : f32
    %broadcast_in_dim3A_5 = vector.broadcast %broadcast_in_dim3A_4 : f32 to vector<16xf32>
    "tpu.region"() ({
      %run_scoped3A = tpu.sem_alloc : memref<!tpu.dma_semaphore, #tpu.memory_space<semaphore_mem>>
      %dma_start3A = arith.constant 0 : i32
      %dma_start3A_12 = tpu.memref_slice %arg7[%mul3A_2, %dma_start3A] : memref<10112x128xf32, #tpu.memory_space<vmem_shared>> -> memref<632x128xf32, #tpu.memory_space<vmem_shared>>
      %dma_start3A_13 = arith.constant 0 : i32
      %dma_start3A_14 = tpu.memref_slice %arg2[%mul3A_2, %dma_start3A_13] : memref<10112x128xf32, #tpu.memory_space<hbm>> -> memref<632x128xf32, #tpu.memory_space<hbm>>
      tpu.enqueue_dma source(%dma_start3A_14 : memref<632x128xf32, #tpu.memory_space<hbm>>) target(%dma_start3A_12 : memref<632x128xf32, #tpu.memory_space<vmem_shared>>) target_semaphore(%run_scoped3A : memref<!tpu.dma_semaphore, #tpu.memory_space<semaphore_mem>>)
      %dma_wait3A = arith.constant 0 : i32
      %dma_wait3A_15 = tpu.memref_slice %arg7[%mul3A_2, %dma_wait3A] : memref<10112x128xf32, #tpu.memory_space<vmem_shared>> -> memref<632x128xf32, #tpu.memory_space<vmem_shared>>
      %dma_wait3A_16 = arith.constant 0 : i32
      %dma_wait3A_17 = tpu.memref_slice %arg2[%mul3A_2, %dma_wait3A_16] : memref<10112x128xf32, #tpu.memory_space<hbm>> -> memref<632x128xf32, #tpu.memory_space<hbm>>
      tpu.wait_dma2 semaphore(%run_scoped3A : memref<!tpu.dma_semaphore, #tpu.memory_space<semaphore_mem>>) src(%dma_wait3A_17 : memref<632x128xf32, #tpu.memory_space<hbm>>) dst(%dma_wait3A_15 : memref<632x128xf32, #tpu.memory_space<vmem_shared>>)
      tpu.yield
    }) : () -> ()
    %barrier3A = arith.constant 0 : index
    tpu.barrier barrier_id(%barrier3A)
    %scan3A = arith.constant 0 : i32
    %scan3A_6 = arith.constant 0 : i32
    %scan3A_7 = arith.constant 79 : i32
    %scan3A_8 = arith.addi %scan3A_6, %scan3A_7 : i32
    %scan3A_9 = arith.constant 1 : i32
    scf.for %scan3A_12 = %scan3A_6 to %scan3A_8 step %scan3A_9  : i32 {
      %mul3A_13 = arith.constant 79 : i32
      %mul3A_14 = arith.muli %add3A, %mul3A_13 : i32
      %add3A_15 = arith.addi %mul3A_14, %scan3A_12 : i32
      "tpu.region"() ({
        %run_scoped3A = tpu.sem_alloc : memref<!tpu.dma_semaphore, #tpu.memory_space<semaphore_mem>>
        %dma_start3A_20 = arith.constant 0 : i32
        %dma_start3A_21 = tpu.memref_slice %arg4[%add3A_15, %dma_start3A_20] : memref<2528x128xi32, #tpu.memory_space<hbm>> -> memref<1x128xi32, #tpu.memory_space<hbm>>
        %dma_start3A_22 = tpu.memref_squeeze %dma_start3A_21 : memref<1x128xi32, #tpu.memory_space<hbm>> -> memref<128xi32, #tpu.memory_space<hbm>>
        %dma_start3A_23 = arith.constant 0 : i32
        %dma_start3A_24 = tpu.memref_slice %arg4[%add3A_15, %dma_start3A_23] : memref<2528x128xi32, #tpu.memory_space<hbm>> -> memref<1x128xi32, #tpu.memory_space<hbm>>
        %dma_start3A_25 = tpu.memref_squeeze %dma_start3A_24 : memref<1x128xi32, #tpu.memory_space<hbm>> -> memref<128xi32, #tpu.memory_space<hbm>>
        tpu.enqueue_dma source(%dma_start3A_25 : memref<128xi32, #tpu.memory_space<hbm>>) target(%arg8 : memref<128xi32, #tpu.memory_space<vmem>>) target_semaphore(%run_scoped3A : memref<!tpu.dma_semaphore, #tpu.memory_space<semaphore_mem>>)
        %dma_wait3A_26 = arith.constant 0 : i32
        %dma_wait3A_27 = tpu.memref_slice %arg4[%add3A_15, %dma_wait3A_26] : memref<2528x128xi32, #tpu.memory_space<hbm>> -> memref<1x128xi32, #tpu.memory_space<hbm>>
        %dma_wait3A_28 = tpu.memref_squeeze %dma_wait3A_27 : memref<1x128xi32, #tpu.memory_space<hbm>> -> memref<128xi32, #tpu.memory_space<hbm>>
        %dma_wait3A_29 = arith.constant 0 : i32
        %dma_wait3A_30 = tpu.memref_slice %arg4[%add3A_15, %dma_wait3A_29] : memref<2528x128xi32, #tpu.memory_space<hbm>> -> memref<1x128xi32, #tpu.memory_space<hbm>>
        %dma_wait3A_31 = tpu.memref_squeeze %dma_wait3A_30 : memref<1x128xi32, #tpu.memory_space<hbm>> -> memref<128xi32, #tpu.memory_space<hbm>>
        tpu.wait_dma2 semaphore(%run_scoped3A : memref<!tpu.dma_semaphore, #tpu.memory_space<semaphore_mem>>) src(%dma_wait3A_31 : memref<128xi32, #tpu.memory_space<hbm>>) dst(%arg8 : memref<128xi32, #tpu.memory_space<vmem>>)
        tpu.yield
      }) : () -> ()
      "tpu.region"() ({
        %run_scoped3A = tpu.sem_alloc : memref<!tpu.dma_semaphore, #tpu.memory_space<semaphore_mem>>
        %dma_start3A_20 = arith.constant 0 : i32
        %dma_start3A_21 = tpu.memref_slice %arg5[%add3A_15, %dma_start3A_20] : memref<2528x128xi32, #tpu.memory_space<hbm>> -> memref<1x128xi32, #tpu.memory_space<hbm>>
        %dma_start3A_22 = tpu.memref_squeeze %dma_start3A_21 : memref<1x128xi32, #tpu.memory_space<hbm>> -> memref<128xi32, #tpu.memory_space<hbm>>
        %dma_start3A_23 = arith.constant 0 : i32
        %dma_start3A_24 = tpu.memref_slice %arg5[%add3A_15, %dma_start3A_23] : memref<2528x128xi32, #tpu.memory_space<hbm>> -> memref<1x128xi32, #tpu.memory_space<hbm>>
        %dma_start3A_25 = tpu.memref_squeeze %dma_start3A_24 : memref<1x128xi32, #tpu.memory_space<hbm>> -> memref<128xi32, #tpu.memory_space<hbm>>
        tpu.enqueue_dma source(%dma_start3A_25 : memref<128xi32, #tpu.memory_space<hbm>>) target(%arg9 : memref<128xi32, #tpu.memory_space<vmem>>) target_semaphore(%run_scoped3A : memref<!tpu.dma_semaphore, #tpu.memory_space<semaphore_mem>>)
        %dma_wait3A_26 = arith.constant 0 : i32
        %dma_wait3A_27 = tpu.memref_slice %arg5[%add3A_15, %dma_wait3A_26] : memref<2528x128xi32, #tpu.memory_space<hbm>> -> memref<1x128xi32, #tpu.memory_space<hbm>>
        %dma_wait3A_28 = tpu.memref_squeeze %dma_wait3A_27 : memref<1x128xi32, #tpu.memory_space<hbm>> -> memref<128xi32, #tpu.memory_space<hbm>>
        %dma_wait3A_29 = arith.constant 0 : i32
        %dma_wait3A_30 = tpu.memref_slice %arg5[%add3A_15, %dma_wait3A_29] : memref<2528x128xi32, #tpu.memory_space<hbm>> -> memref<1x128xi32, #tpu.memory_space<hbm>>
        %dma_wait3A_31 = tpu.memref_squeeze %dma_wait3A_30 : memref<1x128xi32, #tpu.memory_space<hbm>> -> memref<128xi32, #tpu.memory_space<hbm>>
        tpu.wait_dma2 semaphore(%run_scoped3A : memref<!tpu.dma_semaphore, #tpu.memory_space<semaphore_mem>>) src(%dma_wait3A_31 : memref<128xi32, #tpu.memory_space<hbm>>) dst(%arg9 : memref<128xi32, #tpu.memory_space<vmem>>)
        tpu.yield
      }) : () -> ()
      %dma_start3A = arith.constant 0 : i32
      %dma_start3A_16 = arith.constant 0 : i32
      %dma_start3A_17 = tpu.memref_slice %arg3[%dma_start3A, %dma_start3A_16] : memref<10112x128xf32, #tpu.memory_space<hbm>> -> memref<10112x128xf32, #tpu.memory_space<hbm>>
      tpu.enqueue_indirect_dma source(%dma_start3A_17 : memref<10112x128xf32, #tpu.memory_space<hbm>>) target(%arg10 : memref<128x128xf32, #tpu.memory_space<vmem>>) offsets(%arg8 : memref<128xi32, #tpu.memory_space<vmem>>) semaphore(%arg11 : memref<!tpu.dma_semaphore, #tpu.memory_space<semaphore_mem>>)
      %dma_wait3A = arith.constant 0 : i32
      %dma_wait3A_18 = arith.constant 0 : i32
      %dma_wait3A_19 = tpu.memref_slice %arg3[%dma_wait3A, %dma_wait3A_18] : memref<10112x128xf32, #tpu.memory_space<hbm>> -> memref<10112x128xf32, #tpu.memory_space<hbm>>
      tpu.wait_indirect_dma semaphore(%arg11 : memref<!tpu.dma_semaphore, #tpu.memory_space<semaphore_mem>>) src(%dma_wait3A_19 : memref<10112x128xf32, #tpu.memory_space<hbm>>) dst(%arg10 : memref<128x128xf32, #tpu.memory_space<vmem>>)
      "tpu.region"() ({
        %run_scoped3A = tpu.sem_alloc : memref<!tpu.dma_semaphore, #tpu.memory_space<semaphore_mem>>
        %dma_start3A_20 = arith.constant 0 : i32
        %dma_start3A_21 = arith.constant 0 : i32
        %dma_start3A_22 = tpu.memref_slice %arg7[%dma_start3A_20, %dma_start3A_21] : memref<10112x128xf32, #tpu.memory_space<vmem_shared>> -> memref<10112x128xf32, #tpu.memory_space<vmem_shared>>
        tpu.enqueue_indirect_dma source(%arg10 : memref<128x128xf32, #tpu.memory_space<vmem>>) target(%dma_start3A_22 : memref<10112x128xf32, #tpu.memory_space<vmem_shared>>) offsets(%arg9 : memref<128xi32, #tpu.memory_space<vmem>>) semaphore(%run_scoped3A : memref<!tpu.dma_semaphore, #tpu.memory_space<semaphore_mem>>) {add = true}
        %dma_wait3A_23 = arith.constant 0 : i32
        %dma_wait3A_24 = arith.constant 0 : i32
        %dma_wait3A_25 = tpu.memref_slice %arg7[%dma_wait3A_23, %dma_wait3A_24] : memref<10112x128xf32, #tpu.memory_space<vmem_shared>> -> memref<10112x128xf32, #tpu.memory_space<vmem_shared>>
        tpu.wait_indirect_dma semaphore(%run_scoped3A : memref<!tpu.dma_semaphore, #tpu.memory_space<semaphore_mem>>) src(%arg10 : memref<128x128xf32, #tpu.memory_space<vmem>>) dst(%dma_wait3A_25 : memref<10112x128xf32, #tpu.memory_space<vmem_shared>>)
        tpu.yield
      }) : () -> ()
    }
    %scan3A_10 = arith.constant 79 : i32
    %barrier3A_11 = arith.constant 0 : index
    tpu.barrier barrier_id(%barrier3A_11)
    "tpu.region"() ({
      %run_scoped3A = tpu.sem_alloc : memref<!tpu.dma_semaphore, #tpu.memory_space<semaphore_mem>>
      %dma_start3A = arith.constant 0 : i32
      %dma_start3A_12 = tpu.memref_slice %arg6[%arg0, %mul3A_2, %dma_start3A] : memref<2x10112x128xf32, #tpu.memory_space<hbm>> -> memref<1x632x128xf32, #tpu.memory_space<hbm>>
      %dma_start3A_13 = tpu.memref_squeeze %dma_start3A_12 : memref<1x632x128xf32, #tpu.memory_space<hbm>> -> memref<632x128xf32, #tpu.memory_space<hbm>>
      %dma_start3A_14 = arith.constant 0 : i32
      %dma_start3A_15 = tpu.memref_slice %arg7[%mul3A_2, %dma_start3A_14] : memref<10112x128xf32, #tpu.memory_space<vmem_shared>> -> memref<632x128xf32, #tpu.memory_space<vmem_shared>>
      tpu.enqueue_dma source(%dma_start3A_15 : memref<632x128xf32, #tpu.memory_space<vmem_shared>>) target(%dma_start3A_13 : memref<632x128xf32, #tpu.memory_space<hbm>>) target_semaphore(%run_scoped3A : memref<!tpu.dma_semaphore, #tpu.memory_space<semaphore_mem>>)
      %dma_wait3A = arith.constant 0 : i32
      %dma_wait3A_16 = tpu.memref_slice %arg6[%arg0, %mul3A_2, %dma_wait3A] : memref<2x10112x128xf32, #tpu.memory_space<hbm>> -> memref<1x632x128xf32, #tpu.memory_space<hbm>>
      %dma_wait3A_17 = tpu.memref_squeeze %dma_wait3A_16 : memref<1x632x128xf32, #tpu.memory_space<hbm>> -> memref<632x128xf32, #tpu.memory_space<hbm>>
      %dma_wait3A_18 = arith.constant 0 : i32
      %dma_wait3A_19 = tpu.memref_slice %arg7[%mul3A_2, %dma_wait3A_18] : memref<10112x128xf32, #tpu.memory_space<vmem_shared>> -> memref<632x128xf32, #tpu.memory_space<vmem_shared>>
      tpu.wait_dma2 semaphore(%run_scoped3A : memref<!tpu.dma_semaphore, #tpu.memory_space<semaphore_mem>>) src(%dma_wait3A_19 : memref<632x128xf32, #tpu.memory_space<vmem_shared>>) dst(%dma_wait3A_17 : memref<632x128xf32, #tpu.memory_space<hbm>>)
      tpu.yield
    }) : () -> ()
    return
  }
}

module attributes {stable_mosaic.version = 14 : i64} {
  func.func @body(%arg0: i32, %arg1: memref<2528x128xf32, #tpu.memory_space<vmem>>, %arg2: memref<2528x128xf32, #tpu.memory_space<vmem>>, %arg3: memref<2528x1xf32, #tpu.memory_space<vmem>>, %arg4: memref<2528x1xf32, #tpu.memory_space<vmem>>, %arg5: memref<2528x128xf32, #tpu.memory_space<vmem>>, %arg6: memref<128x128xf32, #tpu.memory_space<vmem>>, %arg7: memref<1x128xf32, #tpu.memory_space<vmem>>, %arg8: memref<128x128xf32, #tpu.memory_space<vmem>>, %arg9: memref<2528x128xf32, #tpu.memory_space<vmem>>) attributes {dimension_semantics = [#tpu.dimension_semantics<arbitrary>], iteration_bounds = array<i64: 4>, scalar_prefetch = 0 : i64, scratch_operands = 0 : i64, tpu.core_type = #tpu.core_type<tc>, window_params = [{transform_indices = @transform_0, window_bounds = array<i64: 2528, 128>}, {transform_indices = @transform_1, window_bounds = array<i64: 2528, 128>}, {transform_indices = @transform_2, window_bounds = array<i64: 2528, 1>}, {transform_indices = @transform_3, window_bounds = array<i64: 2528, 1>}, {transform_indices = @transform_4, window_bounds = array<i64: 2528, 128>}, {pipeline_mode = #tpu.pipeline_mode<synchronous>, transform_indices = @transform_5, window_bounds = array<i64: 128, 128>}, {pipeline_mode = #tpu.pipeline_mode<synchronous>, transform_indices = @transform_6, window_bounds = array<i64: 1, 128>}, {pipeline_mode = #tpu.pipeline_mode<synchronous>, transform_indices = @transform_7, window_bounds = array<i64: 128, 128>}, {transform_indices = @transform_8, window_bounds = array<i64: 2528, 128>}]} {
    %get3A = arith.constant 0 : index
    %get3A_0 = arith.constant 0 : index
    %get3A_1 = vector.load %arg3[%get3A, %get3A_0] : memref<2528x1xf32, #tpu.memory_space<vmem>>, vector<2528x1xf32>
    %get3A_2 = arith.constant 0 : index
    %get3A_3 = arith.constant 0 : index
    %get3A_4 = vector.load %arg4[%get3A_2, %get3A_3] : memref<2528x1xf32, #tpu.memory_space<vmem>>, vector<2528x1xf32>
    %add3A = arith.addf %get3A_1, %get3A_4 : vector<2528x1xf32>
    %max3A = arith.constant 1.000000e+00 : f32
    %max3A_5 = vector.broadcast %max3A : f32 to vector<2528x1xf32>
    %max3A_6 = arith.maximumf %add3A, %max3A_5 : vector<2528x1xf32>
    %get3A_7 = arith.constant 0 : index
    %get3A_8 = arith.constant 0 : index
    %get3A_9 = vector.load %arg1[%get3A_7, %get3A_8] : memref<2528x128xf32, #tpu.memory_space<vmem>>, vector<2528x128xf32>
    %get3A_10 = arith.constant 0 : index
    %get3A_11 = arith.constant 0 : index
    %get3A_12 = vector.load %arg2[%get3A_10, %get3A_11] : memref<2528x128xf32, #tpu.memory_space<vmem>>, vector<2528x128xf32>
    %add3A_13 = arith.addf %get3A_9, %get3A_12 : vector<2528x128xf32>
    %div3A = vector.broadcast %max3A_6 : vector<2528x1xf32> to vector<2528x128xf32>
    %div3A_14 = arith.divf %add3A_13, %div3A : vector<2528x128xf32>
    %get3A_15 = arith.constant 0 : index
    %get3A_16 = arith.constant 0 : index
    %get3A_17 = vector.load %arg6[%get3A_15, %get3A_16] : memref<128x128xf32, #tpu.memory_space<vmem>>, vector<128x128xf32>
    %dot_general3A = arith.constant dense<0.000000e+00> : vector<2528x128xf32>
    %dot_general3A_18 = tpu.matmul %div3A_14, %get3A_17, %dot_general3A {dimension_numbers = #tpu.dot_dimension_numbers<[1], [0], [0], [1], [0, 0, 1, 1], [], []>, transpose_lhs_hint = false} : vector<2528x128xf32>, vector<128x128xf32>, vector<2528x128xf32> -> vector<2528x128xf32>
    %get3A_19 = arith.constant 0 : index
    %get3A_20 = arith.constant 0 : index
    %get3A_21 = vector.load %arg5[%get3A_19, %get3A_20] : memref<2528x128xf32, #tpu.memory_space<vmem>>, vector<2528x128xf32>
    %get3A_22 = arith.constant 0 : index
    %get3A_23 = arith.constant 0 : index
    %get3A_24 = vector.load %arg8[%get3A_22, %get3A_23] : memref<128x128xf32, #tpu.memory_space<vmem>>, vector<128x128xf32>
    %dot_general3A_25 = arith.constant dense<0.000000e+00> : vector<2528x128xf32>
    %dot_general3A_26 = tpu.matmul %get3A_21, %get3A_24, %dot_general3A_25 {dimension_numbers = #tpu.dot_dimension_numbers<[1], [0], [0], [1], [0, 0, 1, 1], [], []>, transpose_lhs_hint = false} : vector<2528x128xf32>, vector<128x128xf32>, vector<2528x128xf32> -> vector<2528x128xf32>
    %add3A_27 = arith.addf %dot_general3A_18, %dot_general3A_26 : vector<2528x128xf32>
    %get3A_28 = arith.constant 0 : index
    %get3A_29 = arith.constant 0 : index
    %get3A_30 = vector.load %arg7[%get3A_28, %get3A_29] : memref<1x128xf32, #tpu.memory_space<vmem>>, vector<1x128xf32>
    %add3A_31 = vector.broadcast %get3A_30 : vector<1x128xf32> to vector<2528x128xf32>
    %add3A_32 = arith.addf %add3A_27, %add3A_31 : vector<2528x128xf32>
    %swap3A = arith.constant 0 : index
    %swap3A_33 = arith.constant 0 : index
    %swap3A_34 = vector.load %arg9[%swap3A, %swap3A_33] : memref<2528x128xf32, #tpu.memory_space<vmem>>, vector<2528x128xf32>
    tpu.vector_store %arg9[%swap3A, %swap3A_33], %add3A_32 {strides = array<i32>} : memref<2528x128xf32, #tpu.memory_space<vmem>>, vector<2528x128xf32>,
    return
  }
  func.func @transform_0(%arg0: i32) -> (i32, i32) {
    %c0_i32 = arith.constant 0 : i32
    %c0_i32_0 = arith.constant 0 : i32
    return %arg0, %c0_i32 : i32, i32
  }
  func.func @transform_1(%arg0: i32) -> (i32, i32) {
    %c0_i32 = arith.constant 0 : i32
    %c0_i32_0 = arith.constant 0 : i32
    return %arg0, %c0_i32 : i32, i32
  }
  func.func @transform_2(%arg0: i32) -> (i32, i32) {
    %c0_i32 = arith.constant 0 : i32
    %c0_i32_0 = arith.constant 0 : i32
    return %arg0, %c0_i32 : i32, i32
  }
  func.func @transform_3(%arg0: i32) -> (i32, i32) {
    %c0_i32 = arith.constant 0 : i32
    %c0_i32_0 = arith.constant 0 : i32
    return %arg0, %c0_i32 : i32, i32
  }
  func.func @transform_4(%arg0: i32) -> (i32, i32) {
    %c0_i32 = arith.constant 0 : i32
    %c0_i32_0 = arith.constant 0 : i32
    return %arg0, %c0_i32 : i32, i32
  }
  func.func @transform_5(%arg0: i32) -> (i32, i32) {
    %c0_i32 = arith.constant 0 : i32
    %c0_i32_0 = arith.constant 0 : i32
    %c0_i32_1 = arith.constant 0 : i32
    return %c0_i32, %c0_i32_0 : i32, i32
  }
  func.func @transform_6(%arg0: i32) -> (i32, i32) {
    %c0_i32 = arith.constant 0 : i32
    %c0_i32_0 = arith.constant 0 : i32
    %c0_i32_1 = arith.constant 0 : i32
    return %c0_i32, %c0_i32_0 : i32, i32
  }
  func.func @transform_7(%arg0: i32) -> (i32, i32) {
    %c0_i32 = arith.constant 0 : i32
    %c0_i32_0 = arith.constant 0 : i32
    %c0_i32_1 = arith.constant 0 : i32
    return %c0_i32, %c0_i32_0 : i32, i32
  }
  func.func @transform_8(%arg0: i32) -> (i32, i32) {
    %c0_i32 = arith.constant 0 : i32
    %c0_i32_0 = arith.constant 0 : i32
    return %arg0, %c0_i32 : i32, i32
  }
}

</mosaic_0001>

<sc_bundles>
// kernel: kernel.6.cloned.1.call-start
scs
__scs_entry_jumppad:
0x0: {  	(pc) =	sbr.rel $0x88, $3  }
0x1: {  	(tag) =	ssettag $0x0;
	lr =	simm.s32 $0x1  }
0x2: {  	[smem:$0x3F99] =	sst lr;
	_ =	strace $0xD0000000  }
0x3: {  	_ = 	snop  }
0x4: {  	_ = 	snop  }
0x5: {  	_ = 	snop  }
0x6: {  	_ = 	snop  }
0x7: {  	_ = 	snop  }
__scs_overlays_trampoline_lowered:
0x8: {  	[smem:$0x3FA8] =	sst s0  }
0x9: {  	[smem:$0x3FA9] =	sst s1  }
0xa: {  	[smem:$0x3FAA] =	sst s2  }
0xb: {  	[smem:$0x3FAB] =	sst s3  }
0xc: {  	[smem:$0x3FAC] =	sst s4  }
0xd: {  	[smem:$0x3FAD] =	sst s5  }
0xe: {  	[smem:$0x3FAE] =	sst s6  }
0xf: {  	[smem:$0x3FAF] =	sst s7  }
0x10: {  	[smem:$0x3FB0] =	sst s8  }
0x11: {  	[smem:$0x3FB1] =	sst s9;
	s0 =	simm.s32 @!p0 $0x0  }
0x12: {  	s1 =	sld [smem:$0x3F97];
	s0 =	simm.s32 @p0 $0x1  }
0x13: {  	[smem:$0x3FB2] =	sst s0;
	s0 =	simm.s32 @!p1 $0x0  }
0x14: {  	s2 =	sld [smem:$0x3F96];
	s0 =	simm.s32 @p1 $0x1  }
0x15: {  	[smem:$0x3FB3] =	sst s0;
	s0 =	simm.s32 @!p2 $0x0  }
0x16: {  	s3 =	sld [smem:$0x3FDB];
	s0 =	simm.s32 @p2 $0x1  }
0x17: {  	s4 =	simm.s32 $0x1BF5;
	[smem:$0x3FB5] =	sst s0  }
0x18: {  	s0 =	sld [smem:$0x3F98];
	_ =	swait.ge [sflag:s4], $0x0  }
0x19: {  	s7 =	sld [smem:$0x3F99]  }
0x1a: {  	s8 =	sadd.s32 $0xFFFFE003, lr  }
0x1b: {  	s9 =	sadd.s32 $0xFFFFFEF7, lr;
	s5 =	simm.s32 $0xFFFFFFFF;
	p2 =	slt.u32 s8, $0xFFFFF086  }
0x1c: {  	p1 =	slt.u32 s9, $0xF7A;
	s5 =	simm.s32 @!p2 $0x0  }
0x1d: {  	s5 =	simm.s32 @p1 $0x1;
	p0 =	seq.s32 s7, s2  }
0x1e: {  	s7 =	smul.u32 @!p0 $0xF7A, s2;
	p2 =	seq.s32 @!p0 s5, $0x0  }
0x1f: {  	s9 =	smul.u32 $0xF7A, s1;
	s8 =	simm.s32 @!p0 $0x1BF5;
	p2 =	por !p2, p0  }
0x20: {  	[sflag:s8] =	ssyncset.s32 @!p0 $0xFFFFF086;
	s6 =	sadd.s32 @!p0 s3, s7;
	s7 =	simm.s32 @!p0 $0x108  }
0x21: {  	s3 =	sadd.s32 s3, s9;
	s6 =	sadd.s32 @!p0 $0x88, s6;
	s7 =	simm.s32 @p2 $0x1082  }
0x22: {  	[simem:s7], [sflag:s8] =	dma.local @!p0 [hbm:s6], $0xF7A  }
0x23: {  	s9 =	sor.u32 $0xD0000000, s2;
	s6 =	simm.s32 $0x108;
	_ =	swait.ge @!p0 [sflag:s8], $0x0  }
0x24: {  	s3 =	sadd.s32 $0x88, s3;
	s6 =	simm.s32 @!p1 $0x1082;
	[sflag:s4] =	ssyncset.s32 $0xFFFFF086  }
0x25: {  	[simem:s6], [sflag:s4] =	dma.local [hbm:s3], $0xF7A  }
0x26: {  	[smem:$0x3F99] =	sst s1;
	(tag) =	ssettag s2;
	_ =	strace s9  }
0x27: {  	s1 =	sld [smem:$0x3FA9]  }
0x28: {  	s2 =	sld [smem:$0x3FAA]  }
0x29: {  	s4 =	sld [smem:$0x3FAC]  }
0x2a: {  	p0 =	seq.s32 s5, $0x0;
	s5 =	sld [smem:$0x3FAD]  }
0x2b: {  	s6 =	sld [smem:$0x3FAE]  }
0x2c: {  	s7 =	sld [smem:$0x3FAF]  }
0x2d: {  	s3 =	simm.s32 $0x108;
	s8 =	sld [smem:$0x3FB0]  }
0x2e: {  	s3 =	simm.s32 @!p0 $0x1082;
	s9 =	sld [smem:$0x3FB1]  }
0x2f: {  	lr =	sadd.s32 s0, s3;
	s0 =	sld [smem:$0x3FA8]  }
0x30: {  	s3 =	sld [smem:$0x3FAB]  }
0x31: {  	[smem:$0x3FB4] =	sst s10  }
0x32: {  	s10 =	sld [smem:$0x3FB2];
	_ =	sdelay $0x3  }
0x33: {  	p0 =	seq.s32 s10, $0x1;
	s10 =	sld [smem:$0x3FB4];
	_ =	sdelay $0x3  }
0x34: {  	[smem:$0x3FB4] =	sst s10  }
0x35: {  	s10 =	sld [smem:$0x3FB3];
	_ =	sdelay $0x3  }
0x36: {  	p1 =	seq.s32 s10, $0x1;
	s10 =	sld [smem:$0x3FB4];
	_ =	sdelay $0x3  }
0x37: {  	[smem:$0x3FB4] =	sst s10  }
0x38: {  	s10 =	sld [smem:$0x3FB5]  }
0x39: {  	_ = 	snop;
	(pc) =	sbr.ind lr, $3  }
0x3a: {  	_ = 	snop  }
0x3b: {  	_ = 	snop  }
0x3c: {  	p2 =	seq.s32 s10, $0x1;
	s10 =	sld [smem:$0x3FB4]  }
0x3d: {  	_ =	shalt  }
0x3e: {  	_ =	shalt  }
0x3f: {  	_ =	shalt  }
0x40: {  	_ =	shalt  }
0x41: {  	_ =	shalt  }
0x42: {  	_ =	shalt  }
0x43: {  	_ =	shalt  }
0x44: {  	_ =	shalt  }
0x45: {  	_ =	shalt  }
0x46: {  	_ =	shalt  }
0x47: {  	_ =	shalt  }
0x48: {  	_ =	shalt  }
0x49: {  	_ =	shalt  }
0x4a: {  	_ =	shalt  }
0x4b: {  	_ =	shalt  }
0x4c: {  	_ =	shalt  }
0x4d: {  	_ =	shalt  }
0x4e: {  	_ =	shalt  }
0x4f: {  	_ =	shalt  }
0x50: {  	_ =	shalt  }
0x51: {  	_ =	shalt  }
0x52: {  	_ =	shalt  }
0x53: {  	_ =	shalt  }
0x54: {  	_ =	shalt  }
0x55: {  	_ =	shalt  }
0x56: {  	_ =	shalt  }
0x57: {  	_ =	shalt  }
0x58: {  	_ =	shalt  }
0x59: {  	_ =	shalt  }
0x5a: {  	_ =	shalt  }
0x5b: {  	_ =	shalt  }
0x5c: {  	_ =	shalt  }
0x5d: {  	_ =	shalt  }
0x5e: {  	_ =	shalt  }
0x5f: {  	_ =	shalt  }
0x60: {  	_ =	shalt  }
0x61: {  	_ =	shalt  }
0x62: {  	_ =	shalt  }
0x63: {  	_ =	shalt  }
0x64: {  	_ =	shalt  }
0x65: {  	_ =	shalt  }
0x66: {  	_ =	shalt  }
0x67: {  	_ =	shalt  }
0x68: {  	_ =	shalt  }
0x69: {  	_ =	shalt  }
0x6a: {  	_ =	shalt  }
0x6b: {  	_ =	shalt  }
0x6c: {  	_ =	shalt  }
0x6d: {  	_ =	shalt  }
0x6e: {  	_ =	shalt  }
0x6f: {  	_ =	shalt  }
0x70: {  	_ =	shalt  }
0x71: {  	_ =	shalt  }
0x72: {  	_ =	shalt  }
0x73: {  	_ =	shalt  }
0x74: {  	_ =	shalt  }
0x75: {  	_ =	shalt  }
0x76: {  	_ =	shalt  }
0x77: {  	_ =	shalt  }
0x78: {  	_ =	shalt  }
0x79: {  	_ =	shalt  }
0x7a: {  	_ =	shalt  }
0x7b: {  	_ =	shalt  }
0x7c: {  	_ =	shalt  }
0x7d: {  	_ =	shalt  }
0x7e: {  	_ =	shalt  }
0x7f: {  	_ =	shalt  }
0x80: {  	_ =	shalt  }
0x81: {  	_ =	shalt  }
0x82: {  	_ =	shalt  }
0x83: {  	_ =	shalt  }
0x84: {  	_ =	shalt  }
0x85: {  	_ =	shalt  }
0x86: {  	_ =	shalt  }
0x87: {  	_ =	shalt  }
.Lfunc_end0:
.L_simem_size_0:
called_computation_lowered:
.L_overlay_start_0:
0x88: {  	s2 =	sld [smem:$0x3FD9]  }
0x89: {  	s3 =	sld [smem:$0x3FFE];
	_ =	sdelay $0x1  }
0x8a: {  	s1 =	srdreg.scid  }
0x8b: {  	s0 =	sand.u32 $0x1, s1  }
0x8c: {  	s17 =	sshll.u32 s0, $0xA;
	s2 =	sadd.s32 s3, s2  }
0x8d: {  	s2 =	sadd.s32 s2, s17  }
0x8e: {  	[smem:$0x3FC0] =	sst s2  }
0x8f: {  	_ = 	snop  }
0x90: {  	s2 =	sld [smem:$0x3FD0];
	(tm) =	ssettm $0x1  }
0x91: {  	s18 =	sld [smem:$0x3FFB];
	_ =	sdelay $0x3  }
0x92: {  	_ =	strace s18  }
0x93: {  	s3 =	sld [smem:$0x3FFC];
	_ =	sdelay $0x3  }
0x94: {  	_ =	strace s3  }
0x95: {  	s3 =	sld [smem:$0x3FFD];
	_ =	sdelay $0x3  }
0x96: {  	_ =	strace s3  }
0x97: {  	_ =	strace $0x8FFFFFFF  }
0x98: {  	s19 =	sld [smem:$0x3FDB];
	_ =	sdelay $0x1  }
0x99: {  	s4 =	simm.s32 $_scs_section_size  }
0x9a: {  	s5 =	simm.s32 $_size__tile_overlayer_lowered;
	s6 =	simm.s32 $_tile_overlayer_lowered  }
0x9b: {  	s22 =	simm.s32 $0x1BFF;
	s21 =	sshll.u32 s6, $0x1;
	s3 =	sadd.s32 s4, s19  }
0x9c: {  	s7 =	simm.s32 $0x0;
	s20 =	sshll.u32 s5, $0x1;
	s5 =	sadd.s32 s21, s3  }
0x9d: {  	[timem:s7], [sflag:s22] =	dma.local [hbm:s5], s20  }
0x9e: {  	_ =	swait.ge [sflag:s22], s20  }
0x9f: {  	s4 =	ssub.s32 $0x0, s20;
	[sflag:s22] =	ssyncset.done $0x0  }
0xa0: {  	[sflag:s22] =	ssyncadd.s32 s4;
	_ =	sdelay $0x1  }
0xa1: {  	s23 =	simm.s32 $0x1B8B  }
0xa2: {  	_ =	swait.ge [sflag:s23], $0x1  }
0xa3: {  	[sflag:s23] =	ssyncset.done $0x0  }
0xa4: {  	s25 =	simm.s32 $0x1B8E;
	s24 =	sld [smem:$0x3FFE];
	[sflag:s23] =	ssyncadd.s32 $0xFFFFFFFF  }
0xa5: {  	s26 =	simm.s32 $execute0_lowered;
	[smem:$0x3FD2] =	sst s25  }
0xa6: {  	s5 =	sshll.u32 s26, $0x1;
	_ =	strace $0x80000046;
	[dreg:$0x1] =	wrdreg $0xFFFFFFFF  }
0xa7: {  	s28 =	simm.s32 $_size_execute0_lowered;
	s3 =	sadd.s32 s3, s5;
	[dreg:$0x0] =	wrdreg $0x0  }
0xa8: {  	s5 =	sshll.u32 s28, $0x1;
	[dreg:$0x2] =	wrdreg s3  }
0xa9: {  	[dreg:$0x3] =	wrdreg s5  }
0xaa: {  	[dreg:$0x4] =	wrdreg $0xC0  }
0xab: {  	_ =	task [dreg:s7], $0x5FFFF  }
0xac: {  	[dreg:$0x1] =	wrdreg $0xFFFFFFFF  }
0xad: {  	[dreg:$0x0] =	wrdreg $0x60  }
0xae: {  	[dreg:$0x2] =	wrdreg s24  }
0xaf: {  	[dreg:$0x3] =	wrdreg s2  }
0xb0: {  	[dreg:$0x4] =	wrdreg $0x0  }
0xb1: {  	[dreg:$0x5] =	wrdreg $0x9  }
0xb2: {  	_ =	task.clear_ibuf [dreg:s7], $0x6FFFF;
	_ =	strace $0x90000046  }
0xb3: {  	s29 =	simm.s32 $0x9;
	_ =	strace $0x80000048  }
0xb4: {  	_ =	swait.ge [sflag:s29], $0x1  }
0xb5: {  	[sflag:s29] =	ssyncadd.s32 $0xFFFFFFFF  }
0xb6: {  	_ =	strace $0x90000048  }
0xb7: {  	_ =	sfence  }
0xb8: {  	s30 =	sld [smem:$0x0];
	_ =	sdelay $0x2  }
0xb9: {  	s31 =	sshll.u32 s1, $0xD;
	s1 =	sshrl.u32 s1, $0x2  }
0xba: {  	s3 =	sand.u32 $0x4000, s31;
	s1 =	sadd.s32 s1, s30  }
0xbb: {  	s0 =	sor.u32 s3, s0;
	s1 =	sshll.u32 s1, $0x11  }
0xbc: {  	s0 =	sor.u32 s1, s0  }
0xbd: {  	s0 =	sadd.s32 $0x8F2B, s0  }
0xbe: {  	[sflag:s0] =	ssyncadd.remote.s32 $0x1  }
0xbf: {  	_ =	sfence.sel $0xFFFF  }
0xc0: {  	[dreg:$0x0] =	wrdreg $0xFFFFFFFF;
	(pc) =	sbr.abs _section_cstart, $3  }
0xc1: {  	[dreg:$0x1] =	wrdreg $0xFFFFFFFF  }
0xc2: {  	_ =	task.clear_ibuf [dreg:s7], $0x2FFFF;
	_ =	strace $0x9FFFFFFF  }
0xc3: {  	(tm) =	ssettm $0x7FFFFFFF  }
tec
execute0_lowered:
.L_overlay_start_1:
0x0: {  	(tag) =	ssettag $0x1  }
0x1: {  	s5 =	rddreg [dreg:$0x0]  }
0x2: {  	s9 =	rddreg [dreg:$0x1]  }
0x3: {  	s2 =	rddreg [dreg:$0x2]  }
0x4: {  	s0 =	rddreg [dreg:$0x3]  }
0x5: {  	s1 =	stileid.u32;
	s3 =	simm.s32 $0x0;
	s4 =	srdreg.scid  }
0x6: {  	s16 =	simm.s32 $0x13D00;
	s17 =	simm.s32 $0x1;
	s18 =	simm.s32 $0x17D00  }
0x7: {  	s19 =	simm.s32 $0x1BD00;
	s20 =	simm.s32 $0x0;
	s6 =	smul.u32 $0x13C00, s1  }
0x8: {  	[smem:$0x7FF] =	sst s3;
	s7 =	sand.u32 $0x1, s4;
	s11 =	smul.u32 $0x9E0, s1  }
0x9: {  	s4 =	sadd.s32 $0x1600, s5;
	s12 =	smul.u32 $0x4F000, s1;
	s29 =	sshll.u32 s1, $0x6  }
0xa: {  	_ =	strace $0x80000047;
	s8 =	smul.u32 $0x13C000, s7;
	s26 =	ssub.s32 $0x2, s7  }
0xb: {  	s30 =	smul.u32 $0x4F0, s7;
	s25 =	sshrl.u32 s6, $0x3;
	s13 =	sadd.s32 s11, s5  }
0xc: {  	s14 =	sshrl.u32 s26, $0x1;
	s28 =	sshrl.u32 s12, $0x2;
	s9 =	sadd.s32 s11, s9  }
0xd: {  	v0 =	vlaneseq.u32;
	s10 =	sadd.s32 s25, s5;
	s6 =	sadd.s32 s6, s8;
	s8 =	ssub.s32 s26, s14  }
0xe: {  	v0 =	vmul.u32 $0x80, v0;
	s12 =	sadd.s32 s28, s2;
	s31 =	sadd.s32 s30, s13;
	s9 =	sadd.s32 s30, s9  }
0xf: {  	s13 =	simm.s32 $0x13C00;
	s14 =	simm.s32 $0x13C80;
	s6 =	sshrl.u32 s6, $0x3  }
0x10: {  	v1 =	vimm.f32 $0.0e+00;
	v2 =	vimm.f32 $1.000000000e+00;
	v3 =	vor.u32 $0x800, v0;
	s8 =	smax.u32 s8, $0x1;
	s11 =	sshrl.u32 s12, $0x3;
	s12 =	simm.s32 $0x2  }
0x11: {  	v4 =	vor.u32 $0x1000, v0;
	v5 =	vor.u32 $0x1800, v0;
	v6 =	vor.u32 $0x2000, v0;
	s15 =	sadd.s32 s6, s5;
	s5 =	sadd.s32 $0x32C00, s10;
	s6 =	sor.u32 $0x1C02, s29  }
0x12: {  	v7 =	vor.u32 $0x2800, v0;
	v8 =	vor.u32 $0x3000, v0;
	v9 =	vor.u32 $0x3800, v0;
	s10 =	sadd.s32 $0x28E00, s31;
	s7 =	sadd.s32 $0x5A400, s15;
	s15 =	simm.s32 $0x80  }
.LBB2_1:
0x13: {  	[spmem:s11], [sflag:s6] =	dma.local [hbm:s5], $0x2780  }
0x14: {  	_ =	swait.ge [sflag:s12], $0x2780  }
0x15: {  	[sflag:s12] =	ssyncset.done $0x0  }
0x16: {  	s21 =	simm.s32 $0x0;
	s22 =	simm.s32 $0x200;
	[sflag:s12] =	ssyncadd.s32 $0xFFFFD880  }
.LBB2_2:
0x17: {  	p0 =	sne.s32 s22, $0xFE00;
	[tilespmem:s21+$0x17D70] =	vst v1  }
0x18: {  	[tilespmem:s21+$0x17D00] =	vst v1  }
0x19: {  	[tilespmem:s21+$0x17D10] =	vst v1  }
.Ltmp0:
0x1a: {  	[tilespmem:s21+$0x17D20] =	vst v1;
	(pc) =	sbr.rel @p0 .LBB2_2-.Ltmp0, $4  }
0x1b: {  	[tilespmem:s21+$0x17D30] =	vst v1  }
0x1c: {  	[tilespmem:s21+$0x17D40] =	vst v1  }
0x1d: {  	[tilespmem:s21+$0x17D50] =	vst v1  }
0x1e: {  	[tilespmem:s21+$0x17D60] =	vst v1;
	s21 =	sshra.s32 s22, $0x2;
	s22 =	sadd.s32 $0x200, s22  }
0x1f: {  	[tilespmem:s21+$0x17D70] =	vst v1  }
0x20: {  	[tilespmem:s21+$0x17D00] =	vst v1  }
0x21: {  	[tilespmem:s21+$0x17D10] =	vst v1  }
0x22: {  	[tilespmem:s21+$0x17D20] =	vst v1  }
0x23: {  	[tilespmem:s21+$0x17D30] =	vst v1  }
0x24: {  	[tilespmem:s21+$0x17D40] =	vst v1  }
0x25: {  	[tilespmem:s21+$0x17D50] =	vst v1  }
0x26: {  	[tilespmem:s21+$0x17D60] =	vst v1  }
0x27: {  	s21 =	simm.s32 $0x0;
	[bflag:$0x0] =	sbarrier.arrive $0xFFFF  }
.LBB2_4:
0x28: {  	s22 =	sadd.s32 s21, s9  }
0x29: {  	[tilespmem:s13], [sflag:$0x2] =	stream.linear.gather [hbm4b:s22+s3], $0x80, $0x38;
	[tilespmem:$0x1BD80] =	vst v63  }
0x2a: {  	_ =	swait.ge [sflag:s12], $0x80  }
0x2b: {  	[sflag:s12] =	ssyncset.done $0x0  }
0x2c: {  	s31 =	sadd.s32 s21, s10;
	[sflag:s12] =	ssyncadd.s32 $0xFFFFFF80  }
0x2d: {  	[tilespmem:s14], [sflag:$0x2] =	stream.linear.gather [hbm4b:s31+s3], $0x80, $0x38;
	[tilespmem:$0x1BD80] =	vst v63  }
0x2e: {  	_ =	swait.ge [sflag:s12], $0x80  }
0x2f: {  	[sflag:s12] =	ssyncset.done $0x0  }
0x30: {  	[sflag:s12] =	ssyncadd.s32 $0xFFFFFF80  }
0x31: {  	[tilespmem:s16], [sflag:$0x1] =	stream.indirect.gather [hbm4b:s4+s15], $0x80, s13, s15, $0xb8;
	[tilespmem:$0x1BD80] =	vst v63  }
0x32: {  	_ =	swait.ge [sflag:s17], $0x4000  }
0x33: {  	[sflag:s17] =	ssyncset.done $0x0  }
0x34: {  	[sflag:s17] =	ssyncadd.s32 $0xFFFFC000  }
0x35: {  	[spmem:s2] =	stream.indirect.scatter.add.f32 [tilespmem:s16], [sflag:$0x2], $0x80, s14, s15, $0xb8;
	[tilespmem:$0x1BD80] =	vst v63  }
0x36: {  	_ =	swait.ge [sflag:s12], $0x4000  }
0x37: {  	[sflag:s12] =	ssyncset.done $0x0  }
0x38: {  	[sflag:s12] =	ssyncadd.s32 $0xFFFFC000  }
0x39: {  	v10 =	vld [tilespmem:$0x13C80];
	_ =	sdelay $0x4  }
0x3a: {  	v11 =	vand.u32 $0x7F, v10  }
0x3b: {  	v11 =	vor.u32 v0, v11;
	_ =	sdelay $0x4  }
0x3c: {  	[tilespmem:v11+s18+$0x0] =	vst.idx.msk $0xffff, v2  }
0x3d: {  	v11 =	vld [tilespmem:$0x13C90];
	_ =	sdelay $0x4  }
0x3e: {  	v12 =	vand.u32 $0x7F, v11  }
0x3f: {  	v12 =	vor.u32 v3, v12;
	_ =	sdelay $0x1  }
0x40: {  	v10 =	vshrl.u32 v10, $0x7  }
0x41: {  	v10 =	vadd.s32 $0x2720, v10  }
0x42: {  	[tilespmem:$0x1BD00] =	vst v10  }
0x43: {  	[tilespmem:v12+s18+$0x0] =	vst.idx.msk $0xffff, v2  }
0x44: {  	v10 =	vld [tilespmem:$0x13CA0];
	_ =	sdelay $0x4  }
0x45: {  	v58 =	vand.u32 $0x7F, v10  }
0x46: {  	v12 =	vor.u32 v4, v58;
	_ =	sdelay $0x1  }
0x47: {  	v11 =	vshrl.u32 v11, $0x7  }
0x48: {  	v11 =	vadd.s32 $0x2720, v11  }
0x49: {  	[tilespmem:$0x1BD10] =	vst v11  }
0x4a: {  	[tilespmem:v12+s18+$0x0] =	vst.idx.msk $0xffff, v2  }
0x4b: {  	v11 =	vld [tilespmem:$0x13CB0];
	_ =	sdelay $0x4  }
0x4c: {  	v59 =	vand.u32 $0x7F, v11  }
0x4d: {  	v12 =	vor.u32 v5, v59;
	_ =	sdelay $0x1  }
0x4e: {  	v10 =	vshrl.u32 v10, $0x7  }
0x4f: {  	v10 =	vadd.s32 $0x2720, v10  }
0x50: {  	[tilespmem:$0x1BD20] =	vst v10  }
0x51: {  	[tilespmem:v12+s18+$0x0] =	vst.idx.msk $0xffff, v2  }
0x52: {  	v10 =	vld [tilespmem:$0x13CC0];
	_ =	sdelay $0x4  }
0x53: {  	v60 =	vand.u32 $0x7F, v10  }
0x54: {  	v12 =	vor.u32 v6, v60;
	_ =	sdelay $0x1  }
0x55: {  	v11 =	vshrl.u32 v11, $0x7  }
0x56: {  	v11 =	vadd.s32 $0x2720, v11  }
0x57: {  	[tilespmem:$0x1BD30] =	vst v11  }
0x58: {  	[tilespmem:v12+s18+$0x0] =	vst.idx.msk $0xffff, v2  }
0x59: {  	v11 =	vld [tilespmem:$0x13CD0];
	_ =	sdelay $0x4  }
0x5a: {  	v61 =	vand.u32 $0x7F, v11  }
0x5b: {  	v12 =	vor.u32 v7, v61;
	_ =	sdelay $0x1  }
0x5c: {  	v10 =	vshrl.u32 v10, $0x7  }
0x5d: {  	v10 =	vadd.s32 $0x2720, v10  }
0x5e: {  	[tilespmem:$0x1BD40] =	vst v10  }
0x5f: {  	[tilespmem:v12+s18+$0x0] =	vst.idx.msk $0xffff, v2  }
0x60: {  	v10 =	vld [tilespmem:$0x13CE0];
	_ =	sdelay $0x4  }
0x61: {  	v62 =	vand.u32 $0x7F, v10  }
0x62: {  	v12 =	vor.u32 v8, v62;
	_ =	sdelay $0x1  }
0x63: {  	v11 =	vshrl.u32 v11, $0x7  }
0x64: {  	v11 =	vadd.s32 $0x2720, v11  }
0x65: {  	[tilespmem:$0x1BD50] =	vst v11  }
0x66: {  	[tilespmem:v12+s18+$0x0] =	vst.idx.msk $0xffff, v2  }
0x67: {  	v11 =	vld [tilespmem:$0x13CF0];
	_ =	sdelay $0x4  }
0x68: {  	v63 =	vand.u32 $0x7F, v11  }
0x69: {  	v12 =	vor.u32 v9, v63;
	_ =	sdelay $0x1  }
0x6a: {  	v10 =	vshrl.u32 v10, $0x7  }
0x6b: {  	v10 =	vadd.s32 $0x2720, v10  }
0x6c: {  	[tilespmem:$0x1BD60] =	vst v10;
	v10 =	vshrl.u32 v11, $0x7  }
0x6d: {  	v10 =	vadd.s32 $0x2720, v10;
	[tilespmem:v12+s18+$0x0] =	vst.idx.msk $0xffff, v2  }
0x6e: {  	[tilespmem:$0x1BD70] =	vst v10  }
0x6f: {  	[spmem:s2] =	stream.indirect.scatter.add.f32 [tilespmem:s18], [sflag:$0x2], $0x80, s19, s15, $0xb8;
	[tilespmem:$0x1BD80] =	vst v63  }
0x70: {  	_ =	swait.ge [sflag:s12], $0x4000  }
0x71: {  	[sflag:s12] =	ssyncset.done $0x0  }
0x72: {  	[sflag:s12] =	ssyncadd.s32 $0xFFFFC000  }
0x73: {  	v10 =	vld [tilespmem:$0x13C80];
	_ =	sdelay $0x4  }
0x74: {  	v10 =	vand.u32 $0x7F, v10  }
0x75: {  	v10 =	vor.u32 v0, v10;
	_ =	sdelay $0x4  }
0x76: {  	[tilespmem:v10+s18+$0x0] =	vst.idx.msk $0xffff, v1  }
0x77: {  	v10 =	vld [tilespmem:$0x13C90];
	_ =	sdelay $0x4  }
0x78: {  	v10 =	vand.u32 $0x7F, v10  }
0x79: {  	v10 =	vor.u32 v3, v10;
	_ =	sdelay $0x4  }
0x7a: {  	[tilespmem:v10+s18+$0x0] =	vst.idx.msk $0xffff, v1  }
0x7b: {  	v10 =	vld [tilespmem:$0x13CA0];
	_ =	sdelay $0x4  }
0x7c: {  	v10 =	vand.u32 $0x7F, v10  }
0x7d: {  	v10 =	vor.u32 v4, v10;
	_ =	sdelay $0x4  }
0x7e: {  	[tilespmem:v10+s18+$0x0] =	vst.idx.msk $0xffff, v1  }
0x7f: {  	v10 =	vld [tilespmem:$0x13CB0];
	_ =	sdelay $0x4  }
0x80: {  	v10 =	vand.u32 $0x7F, v10  }
0x81: {  	v10 =	vor.u32 v5, v10;
	_ =	sdelay $0x4  }
0x82: {  	[tilespmem:v10+s18+$0x0] =	vst.idx.msk $0xffff, v1  }
0x83: {  	v10 =	vld [tilespmem:$0x13CC0];
	_ =	sdelay $0x4  }
0x84: {  	v10 =	vand.u32 $0x7F, v10  }
0x85: {  	v10 =	vor.u32 v6, v10;
	_ =	sdelay $0x4  }
0x86: {  	[tilespmem:v10+s18+$0x0] =	vst.idx.msk $0xffff, v1  }
0x87: {  	v10 =	vld [tilespmem:$0x13CD0];
	_ =	sdelay $0x4  }
0x88: {  	v10 =	vand.u32 $0x7F, v10  }
0x89: {  	v10 =	vor.u32 v7, v10;
	_ =	sdelay $0x4  }
0x8a: {  	[tilespmem:v10+s18+$0x0] =	vst.idx.msk $0xffff, v1  }
0x8b: {  	v10 =	vld [tilespmem:$0x13CE0];
	_ =	sdelay $0x4  }
0x8c: {  	v10 =	vand.u32 $0x7F, v10  }
0x8d: {  	v10 =	vor.u32 v8, v10;
	_ =	sdelay $0x4  }
0x8e: {  	[tilespmem:v10+s18+$0x0] =	vst.idx.msk $0xffff, v1  }
0x8f: {  	v10 =	vld [tilespmem:$0x13CF0];
	_ =	sdelay $0x4  }
0x90: {  	v10 =	vand.u32 $0x7F, v10  }
0x91: {  	p0 =	sne.s32 s21, $0x4E0;
	v10 =	vor.u32 v9, v10  }
.Ltmp1:
0x92: {  	_ = 	snop;
	(pc) =	sbr.rel @p0 .LBB2_4-.Ltmp1, $2  }
0x93: {  	_ =	sdelay $0x2  }
0x94: {  	s21 =	sadd.s32 $0x10, s21;
	[tilespmem:v10+s18+$0x0] =	vst.idx.msk $0xffff, v1  }
0x95: {  	s20 =	sadd.s32 $0x1, s20  }
0x96: {  	p0 =	sne.s32 s20, s8  }
.Ltmp2:
0x97: {  	[bflag:$0x0] =	sbarrier.arrive $0xFFFF;
	(pc) =	sbr.rel @p0 .LBB2_1-.Ltmp2, $4  }
0x98: {  	[hbm:s7], [sflag:s6] =	dma.local [spmem:s11], $0x2780  }
0x99: {  	_ =	swait.ge [sflag:s12], $0x2780  }
0x9a: {  	[sflag:s12] =	ssyncset.done $0x0  }
0x9b: {  	[sflag:s12] =	ssyncadd.s32 $0xFFFFD880  }
0x9c: {  	_ =	sfence.sel $0x180000  }
0x9d: {  	[bflag:$0x0] =	sbarrier.arrive $0xFFFF  }
0x9e: {  	p0 =	sne.s32 s1, $0x0;
	_ =	strace $0x90000047  }
0x9f: {  	s0 =	sadd.s32 @!p0 $0x100000, s0;
	[bflag:$0x2] =	sbarrier.arrive $0xFFFF  }
0xa0: {  	[sflag:s0] =	ssyncadd.tile.s32 @!p0 $0x1;
	_ =	shalt  }
.Lfunc_end2:
_tile_overlayer_lowered:
.L_overlay_start_2:
0xa1: {  	(tag) =	ssettag $0x2  }
0xa2: {  	s0 =	rddreg [dreg:$0x0];
	s2 =	stileid.u32  }
0xa3: {  	s1 =	rddreg [dreg:$0x1];
	p0 =	sne.s32 s2, $0x0  }
0xa4: {  	s3 =	rddreg [dreg:$0x2];
	[bflag:$0x3] =	sbarrier.arrive $0xFFFF;
	s2 =	simm.s32 @!p0 $0x1C02  }
0xa5: {  	[timem:s3], [sflag:s2] =	dma.local @!p0 [hbm:s0], s1  }
0xa6: {  	s0 =	simm.s32 @!p0 $0x2  }
0xa7: {  	_ =	swait.ge @!p0 [sflag:s0], s1  }
0xa8: {  	s1 =	ssub.s32 @!p0 $0x0, s1;
	[sflag:s0] =	ssyncset.done @!p0 $0x0  }
0xa9: {  	[sflag:s0] =	ssyncadd.s32 @!p0 s1  }
0xaa: {  	[bflag:$0x3] =	sbarrier.arrive $0xFFFF  }
0xab: {  	_ =	shalt  }

// kernel: kernel.9.cloned.1.call-start
scs
__scs_entry_jumppad:
0x0: {  	(pc) =	sbr.rel $0x88, $3  }
0x1: {  	(tag) =	ssettag $0x0;
	lr =	simm.s32 $0x1  }
0x2: {  	[smem:$0x3F99] =	sst lr;
	_ =	strace $0xD0000000  }
0x3: {  	_ = 	snop  }
0x4: {  	_ = 	snop  }
0x5: {  	_ = 	snop  }
0x6: {  	_ = 	snop  }
0x7: {  	_ = 	snop  }
__scs_overlays_trampoline_lowered:
0x8: {  	[smem:$0x3FA8] =	sst s0  }
0x9: {  	[smem:$0x3FA9] =	sst s1  }
0xa: {  	[smem:$0x3FAA] =	sst s2  }
0xb: {  	[smem:$0x3FAB] =	sst s3  }
0xc: {  	[smem:$0x3FAC] =	sst s4  }
0xd: {  	[smem:$0x3FAD] =	sst s5  }
0xe: {  	[smem:$0x3FAE] =	sst s6  }
0xf: {  	[smem:$0x3FAF] =	sst s7  }
0x10: {  	[smem:$0x3FB0] =	sst s8  }
0x11: {  	[smem:$0x3FB1] =	sst s9;
	s0 =	simm.s32 @!p0 $0x0  }
0x12: {  	s1 =	sld [smem:$0x3F97];
	s0 =	simm.s32 @p0 $0x1  }
0x13: {  	[smem:$0x3FB2] =	sst s0;
	s0 =	simm.s32 @!p1 $0x0  }
0x14: {  	s2 =	sld [smem:$0x3F96];
	s0 =	simm.s32 @p1 $0x1  }
0x15: {  	[smem:$0x3FB3] =	sst s0;
	s0 =	simm.s32 @!p2 $0x0  }
0x16: {  	s3 =	sld [smem:$0x3FDB];
	s0 =	simm.s32 @p2 $0x1  }
0x17: {  	s4 =	simm.s32 $0x1BF5;
	[smem:$0x3FB5] =	sst s0  }
0x18: {  	s0 =	sld [smem:$0x3F98];
	_ =	swait.ge [sflag:s4], $0x0  }
0x19: {  	s7 =	sld [smem:$0x3F99]  }
0x1a: {  	s8 =	sadd.s32 $0xFFFFE003, lr  }
0x1b: {  	s9 =	sadd.s32 $0xFFFFFEF7, lr;
	s5 =	simm.s32 $0xFFFFFFFF;
	p2 =	slt.u32 s8, $0xFFFFF086  }
0x1c: {  	p1 =	slt.u32 s9, $0xF7A;
	s5 =	simm.s32 @!p2 $0x0  }
0x1d: {  	s5 =	simm.s32 @p1 $0x1;
	p0 =	seq.s32 s7, s2  }
0x1e: {  	s7 =	smul.u32 @!p0 $0xF7A, s2;
	p2 =	seq.s32 @!p0 s5, $0x0  }
0x1f: {  	s9 =	smul.u32 $0xF7A, s1;
	s8 =	simm.s32 @!p0 $0x1BF5;
	p2 =	por !p2, p0  }
0x20: {  	[sflag:s8] =	ssyncset.s32 @!p0 $0xFFFFF086;
	s6 =	sadd.s32 @!p0 s3, s7;
	s7 =	simm.s32 @!p0 $0x108  }
0x21: {  	s3 =	sadd.s32 s3, s9;
	s6 =	sadd.s32 @!p0 $0x88, s6;
	s7 =	simm.s32 @p2 $0x1082  }
0x22: {  	[simem:s7], [sflag:s8] =	dma.local @!p0 [hbm:s6], $0xF7A  }
0x23: {  	s9 =	sor.u32 $0xD0000000, s2;
	s6 =	simm.s32 $0x108;
	_ =	swait.ge @!p0 [sflag:s8], $0x0  }
0x24: {  	s3 =	sadd.s32 $0x88, s3;
	s6 =	simm.s32 @!p1 $0x1082;
	[sflag:s4] =	ssyncset.s32 $0xFFFFF086  }
0x25: {  	[simem:s6], [sflag:s4] =	dma.local [hbm:s3], $0xF7A  }
0x26: {  	[smem:$0x3F99] =	sst s1;
	(tag) =	ssettag s2;
	_ =	strace s9  }
0x27: {  	s1 =	sld [smem:$0x3FA9]  }
0x28: {  	s2 =	sld [smem:$0x3FAA]  }
0x29: {  	s4 =	sld [smem:$0x3FAC]  }
0x2a: {  	p0 =	seq.s32 s5, $0x0;
	s5 =	sld [smem:$0x3FAD]  }
0x2b: {  	s6 =	sld [smem:$0x3FAE]  }
0x2c: {  	s7 =	sld [smem:$0x3FAF]  }
0x2d: {  	s3 =	simm.s32 $0x108;
	s8 =	sld [smem:$0x3FB0]  }
0x2e: {  	s3 =	simm.s32 @!p0 $0x1082;
	s9 =	sld [smem:$0x3FB1]  }
0x2f: {  	lr =	sadd.s32 s0, s3;
	s0 =	sld [smem:$0x3FA8]  }
0x30: {  	s3 =	sld [smem:$0x3FAB]  }
0x31: {  	[smem:$0x3FB4] =	sst s10  }
0x32: {  	s10 =	sld [smem:$0x3FB2];
	_ =	sdelay $0x3  }
0x33: {  	p0 =	seq.s32 s10, $0x1;
	s10 =	sld [smem:$0x3FB4];
	_ =	sdelay $0x3  }
0x34: {  	[smem:$0x3FB4] =	sst s10  }
0x35: {  	s10 =	sld [smem:$0x3FB3];
	_ =	sdelay $0x3  }
0x36: {  	p1 =	seq.s32 s10, $0x1;
	s10 =	sld [smem:$0x3FB4];
	_ =	sdelay $0x3  }
0x37: {  	[smem:$0x3FB4] =	sst s10  }
0x38: {  	s10 =	sld [smem:$0x3FB5]  }
0x39: {  	_ = 	snop;
	(pc) =	sbr.ind lr, $3  }
0x3a: {  	_ = 	snop  }
0x3b: {  	_ = 	snop  }
0x3c: {  	p2 =	seq.s32 s10, $0x1;
	s10 =	sld [smem:$0x3FB4]  }
0x3d: {  	_ =	shalt  }
0x3e: {  	_ =	shalt  }
0x3f: {  	_ =	shalt  }
0x40: {  	_ =	shalt  }
0x41: {  	_ =	shalt  }
0x42: {  	_ =	shalt  }
0x43: {  	_ =	shalt  }
0x44: {  	_ =	shalt  }
0x45: {  	_ =	shalt  }
0x46: {  	_ =	shalt  }
0x47: {  	_ =	shalt  }
0x48: {  	_ =	shalt  }
0x49: {  	_ =	shalt  }
0x4a: {  	_ =	shalt  }
0x4b: {  	_ =	shalt  }
0x4c: {  	_ =	shalt  }
0x4d: {  	_ =	shalt  }
0x4e: {  	_ =	shalt  }
0x4f: {  	_ =	shalt  }
0x50: {  	_ =	shalt  }
0x51: {  	_ =	shalt  }
0x52: {  	_ =	shalt  }
0x53: {  	_ =	shalt  }
0x54: {  	_ =	shalt  }
0x55: {  	_ =	shalt  }
0x56: {  	_ =	shalt  }
0x57: {  	_ =	shalt  }
0x58: {  	_ =	shalt  }
0x59: {  	_ =	shalt  }
0x5a: {  	_ =	shalt  }
0x5b: {  	_ =	shalt  }
0x5c: {  	_ =	shalt  }
0x5d: {  	_ =	shalt  }
0x5e: {  	_ =	shalt  }
0x5f: {  	_ =	shalt  }
0x60: {  	_ =	shalt  }
0x61: {  	_ =	shalt  }
0x62: {  	_ =	shalt  }
0x63: {  	_ =	shalt  }
0x64: {  	_ =	shalt  }
0x65: {  	_ =	shalt  }
0x66: {  	_ =	shalt  }
0x67: {  	_ =	shalt  }
0x68: {  	_ =	shalt  }
0x69: {  	_ =	shalt  }
0x6a: {  	_ =	shalt  }
0x6b: {  	_ =	shalt  }
0x6c: {  	_ =	shalt  }
0x6d: {  	_ =	shalt  }
0x6e: {  	_ =	shalt  }
0x6f: {  	_ =	shalt  }
0x70: {  	_ =	shalt  }
0x71: {  	_ =	shalt  }
0x72: {  	_ =	shalt  }
0x73: {  	_ =	shalt  }
0x74: {  	_ =	shalt  }
0x75: {  	_ =	shalt  }
0x76: {  	_ =	shalt  }
0x77: {  	_ =	shalt  }
0x78: {  	_ =	shalt  }
0x79: {  	_ =	shalt  }
0x7a: {  	_ =	shalt  }
0x7b: {  	_ =	shalt  }
0x7c: {  	_ =	shalt  }
0x7d: {  	_ =	shalt  }
0x7e: {  	_ =	shalt  }
0x7f: {  	_ =	shalt  }
0x80: {  	_ =	shalt  }
0x81: {  	_ =	shalt  }
0x82: {  	_ =	shalt  }
0x83: {  	_ =	shalt  }
0x84: {  	_ =	shalt  }
0x85: {  	_ =	shalt  }
0x86: {  	_ =	shalt  }
0x87: {  	_ =	shalt  }
.Lfunc_end0:
.L_simem_size_0:
called_computation.1_lowered:
.L_overlay_start_0:
0x88: {  	s2 =	sld [smem:$0x3FD9]  }
0x89: {  	s3 =	sld [smem:$0x3FFE];
	_ =	sdelay $0x1  }
0x8a: {  	s1 =	srdreg.scid  }
0x8b: {  	s0 =	sand.u32 $0x1, s1  }
0x8c: {  	s17 =	sshll.u32 s0, $0xA;
	s2 =	sadd.s32 s3, s2  }
0x8d: {  	s2 =	sadd.s32 s2, s17  }
0x8e: {  	[smem:$0x3FC0] =	sst s2  }
0x8f: {  	_ = 	snop  }
0x90: {  	s2 =	sld [smem:$0x3FD0];
	(tm) =	ssettm $0x1  }
0x91: {  	s18 =	sld [smem:$0x3FFB];
	_ =	sdelay $0x3  }
0x92: {  	_ =	strace s18  }
0x93: {  	s3 =	sld [smem:$0x3FFC];
	_ =	sdelay $0x3  }
0x94: {  	_ =	strace s3  }
0x95: {  	s3 =	sld [smem:$0x3FFD];
	_ =	sdelay $0x3  }
0x96: {  	_ =	strace s3  }
0x97: {  	_ =	strace $0x8FFFFFFF  }
0x98: {  	s19 =	sld [smem:$0x3FDB];
	_ =	sdelay $0x1  }
0x99: {  	s4 =	simm.s32 $_scs_section_size  }
0x9a: {  	s5 =	simm.s32 $_size__tile_overlayer_lowered;
	s6 =	simm.s32 $_tile_overlayer_lowered  }
0x9b: {  	s22 =	simm.s32 $0x1BFF;
	s21 =	sshll.u32 s6, $0x1;
	s3 =	sadd.s32 s4, s19  }
0x9c: {  	s7 =	simm.s32 $0x0;
	s20 =	sshll.u32 s5, $0x1;
	s5 =	sadd.s32 s21, s3  }
0x9d: {  	[timem:s7], [sflag:s22] =	dma.local [hbm:s5], s20  }
0x9e: {  	_ =	swait.ge [sflag:s22], s20  }
0x9f: {  	s4 =	ssub.s32 $0x0, s20;
	[sflag:s22] =	ssyncset.done $0x0  }
0xa0: {  	[sflag:s22] =	ssyncadd.s32 s4;
	_ =	sdelay $0x1  }
0xa1: {  	s23 =	simm.s32 $0x1B8B  }
0xa2: {  	_ =	swait.ge [sflag:s23], $0x1  }
0xa3: {  	[sflag:s23] =	ssyncset.done $0x0  }
0xa4: {  	s25 =	simm.s32 $0x1B8E;
	s24 =	sld [smem:$0x3FFE];
	[sflag:s23] =	ssyncadd.s32 $0xFFFFFFFF  }
0xa5: {  	s26 =	simm.s32 $execute0_lowered;
	[smem:$0x3FD2] =	sst s25  }
0xa6: {  	s5 =	sshll.u32 s26, $0x1;
	_ =	strace $0x80000049;
	[dreg:$0x1] =	wrdreg $0xFFFFFFFF  }
0xa7: {  	s28 =	simm.s32 $_size_execute0_lowered;
	s3 =	sadd.s32 s3, s5;
	[dreg:$0x0] =	wrdreg $0x0  }
0xa8: {  	s5 =	sshll.u32 s28, $0x1;
	[dreg:$0x2] =	wrdreg s3  }
0xa9: {  	[dreg:$0x3] =	wrdreg s5  }
0xaa: {  	[dreg:$0x4] =	wrdreg $0xC0  }
0xab: {  	_ =	task [dreg:s7], $0x5FFFF  }
0xac: {  	[dreg:$0x1] =	wrdreg $0xFFFFFFFF  }
0xad: {  	[dreg:$0x0] =	wrdreg $0x60  }
0xae: {  	[dreg:$0x2] =	wrdreg s24  }
0xaf: {  	[dreg:$0x3] =	wrdreg s2  }
0xb0: {  	[dreg:$0x4] =	wrdreg $0x0  }
0xb1: {  	[dreg:$0x5] =	wrdreg $0x9  }
0xb2: {  	_ =	task.clear_ibuf [dreg:s7], $0x6FFFF;
	_ =	strace $0x90000049  }
0xb3: {  	s29 =	simm.s32 $0x9;
	_ =	strace $0x8000004B  }
0xb4: {  	_ =	swait.ge [sflag:s29], $0x1  }
0xb5: {  	[sflag:s29] =	ssyncadd.s32 $0xFFFFFFFF  }
0xb6: {  	_ =	strace $0x9000004B  }
0xb7: {  	_ =	sfence  }
0xb8: {  	s30 =	sld [smem:$0x0];
	_ =	sdelay $0x2  }
0xb9: {  	s31 =	sshll.u32 s1, $0xD;
	s1 =	sshrl.u32 s1, $0x2  }
0xba: {  	s3 =	sand.u32 $0x4000, s31;
	s1 =	sadd.s32 s1, s30  }
0xbb: {  	s0 =	sor.u32 s3, s0;
	s1 =	sshll.u32 s1, $0x11  }
0xbc: {  	s0 =	sor.u32 s1, s0  }
0xbd: {  	s0 =	sadd.s32 $0x8F2B, s0  }
0xbe: {  	[sflag:s0] =	ssyncadd.remote.s32 $0x1  }
0xbf: {  	_ =	sfence.sel $0xFFFF  }
0xc0: {  	[dreg:$0x0] =	wrdreg $0xFFFFFFFF;
	(pc) =	sbr.abs _section_cstart, $3  }
0xc1: {  	[dreg:$0x1] =	wrdreg $0xFFFFFFFF  }
0xc2: {  	_ =	task.clear_ibuf [dreg:s7], $0x2FFFF;
	_ =	strace $0x9FFFFFFF  }
0xc3: {  	(tm) =	ssettm $0x7FFFFFFF  }
tec
execute0_lowered:
.L_overlay_start_1:
0x0: {  	(tag) =	ssettag $0x1  }
0x1: {  	s5 =	rddreg [dreg:$0x0]  }
0x2: {  	s8 =	rddreg [dreg:$0x1]  }
0x3: {  	s2 =	rddreg [dreg:$0x2]  }
0x4: {  	s0 =	rddreg [dreg:$0x3];
	s1 =	stileid.u32  }
0x5: {  	s3 =	simm.s32 $0x0;
	s4 =	srdreg.scid;
	s16 =	simm.s32 $0x13D00  }
0x6: {  	s17 =	simm.s32 $0x1;
	s18 =	simm.s32 $0x0;
	s6 =	smul.u32 $0x13C00, s1  }
0x7: {  	[smem:$0x7FF] =	sst s3;
	s9 =	smul.u32 $0x9E0, s1;
	s7 =	sand.u32 $0x1, s4  }
0x8: {  	s4 =	sadd.s32 $0x1600, s5;
	s12 =	smul.u32 $0x4F000, s1;
	s29 =	sshll.u32 s1, $0x6  }
0x9: {  	_ =	strace $0x8000004A;
	s10 =	smul.u32 $0x13C000, s7;
	s28 =	ssub.s32 $0x2, s7  }
0xa: {  	s30 =	smul.u32 $0x4F0, s7;
	s26 =	sshrl.u32 s6, $0x3;
	s13 =	sadd.s32 s9, s5  }
0xb: {  	s14 =	sshrl.u32 s28, $0x1;
	s12 =	sshrl.u32 s12, $0x2;
	s9 =	sadd.s32 s9, s8  }
0xc: {  	s11 =	sadd.s32 s26, s5;
	s6 =	sadd.s32 s6, s10;
	s10 =	ssub.s32 s28, s14  }
0xd: {  	s12 =	sadd.s32 s12, s2;
	s9 =	sadd.s32 s30, s9;
	s31 =	sadd.s32 s30, s13  }
0xe: {  	s13 =	simm.s32 $0x13C00;
	s14 =	simm.s32 $0x13C80;
	s6 =	sshrl.u32 s6, $0x3  }
0xf: {  	s8 =	smax.u32 s10, $0x1;
	s10 =	sadd.s32 $0x28E00, s31;
	s15 =	sadd.s32 s6, s5  }
0x10: {  	s5 =	sadd.s32 $0x32C00, s11;
	s6 =	sor.u32 $0x1C02, s29;
	s11 =	sshrl.u32 s12, $0x3  }
0x11: {  	s12 =	simm.s32 $0x2;
	s7 =	sadd.s32 $0x81C00, s15;
	s15 =	simm.s32 $0x80  }
.LBB2_1:
0x12: {  	[spmem:s11], [sflag:s6] =	dma.local [hbm:s5], $0x2780  }
0x13: {  	_ =	swait.ge [sflag:s12], $0x2780  }
0x14: {  	[sflag:s12] =	ssyncset.done $0x0  }
0x15: {  	[sflag:s12] =	ssyncadd.s32 $0xFFFFD880  }
0x16: {  	s19 =	sadd.s32 $0x0, s9;
	[bflag:$0x0] =	sbarrier.arrive $0xFFFF  }
0x17: {  	[tilespmem:s13], [sflag:$0x2] =	stream.linear.gather [hbm4b:s19+s3], $0x80, $0x38;
	[tilespmem:$0x17D00] =	vst v63  }
0x18: {  	_ =	swait.ge [sflag:s12], $0x80  }
0x19: {  	[sflag:s12] =	ssyncset.done $0x0  }
0x1a: {  	s31 =	sadd.s32 $0x0, s10;
	[sflag:s12] =	ssyncadd.s32 $0xFFFFFF80  }
0x1b: {  	[tilespmem:s14], [sflag:$0x2] =	stream.linear.gather [hbm4b:s31+s3], $0x80, $0x38;
	[tilespmem:$0x17D00] =	vst v63  }
0x1c: {  	_ =	swait.ge [sflag:s12], $0x80  }
0x1d: {  	[sflag:s12] =	ssyncset.done $0x0  }
0x1e: {  	[sflag:s12] =	ssyncadd.s32 $0xFFFFFF80  }
0x1f: {  	[tilespmem:s16], [sflag:$0x1] =	stream.indirect.gather [hbm4b:s4+s15], $0x80, s13, s15, $0xb8;
	[tilespmem:$0x17D00] =	vst v63  }
0x20: {  	_ =	swait.ge [sflag:s17], $0x4000  }
0x21: {  	[sflag:s17] =	ssyncset.done $0x0  }
0x22: {  	[sflag:s17] =	ssyncadd.s32 $0xFFFFC000  }
0x23: {  	[spmem:s2] =	stream.indirect.scatter.add.f32 [tilespmem:s16], [sflag:$0x2], $0x80, s14, s15, $0xb8;
	[tilespmem:$0x17D00] =	vst v63  }
0x24: {  	_ =	swait.ge [sflag:s12], $0x4000  }
0x25: {  	s20 =	simm.s32 $0x20;
	s19 =	simm.s32 $0x10;
	[sflag:s12] =	ssyncset.done $0x0  }
.LBB2_2:
0x26: {  	s21 =	sadd.s32 s19, s9  }
0x27: {  	[sflag:s12] =	ssyncadd.s32 $0xFFFFC000;
	s22 =	smov.u32 s20;
	s23 =	sadd.s32 $0x10, s20  }
0x28: {  	[tilespmem:s13], [sflag:$0x2] =	stream.linear.gather [hbm4b:s21+s3], $0x80, $0x38;
	[tilespmem:$0x17D00] =	vst v63  }
0x29: {  	p0 =	sne.s32 s20, $0x4E0;
	_ =	swait.ge [sflag:s12], $0x80  }
0x2a: {  	[sflag:s12] =	ssyncset.done $0x0  }
0x2b: {  	s20 =	sadd.s32 s19, s10;
	s19 =	smov.u32 s22;
	[sflag:s12] =	ssyncadd.s32 $0xFFFFFF80  }
0x2c: {  	[tilespmem:s14], [sflag:$0x2] =	stream.linear.gather [hbm4b:s20+s3], $0x80, $0x38;
	[tilespmem:$0x17D00] =	vst v63  }
0x2d: {  	_ =	swait.ge [sflag:s12], $0x80  }
0x2e: {  	[sflag:s12] =	ssyncset.done $0x0  }
0x2f: {  	[sflag:s12] =	ssyncadd.s32 $0xFFFFFF80  }
0x30: {  	[tilespmem:s16], [sflag:$0x1] =	stream.indirect.gather [hbm4b:s4+s15], $0x80, s13, s15, $0xb8;
	[tilespmem:$0x17D00] =	vst v63  }
0x31: {  	_ =	swait.ge [sflag:s17], $0x4000  }
.Ltmp0:
0x32: {  	[sflag:s17] =	ssyncset.done $0x0;
	(pc) =	sbr.rel @p0 .LBB2_2-.Ltmp0, $4  }
0x33: {  	[sflag:s17] =	ssyncadd.s32 $0xFFFFC000  }
0x34: {  	[spmem:s2] =	stream.indirect.scatter.add.f32 [tilespmem:s16], [sflag:$0x2], $0x80, s14, s15, $0xb8;
	[tilespmem:$0x17D00] =	vst v63  }
0x35: {  	_ =	swait.ge [sflag:s12], $0x4000  }
0x36: {  	s20 =	smov.u32 s23;
	[sflag:s12] =	ssyncset.done $0x0  }
0x37: {  	s20 =	sadd.s32 s19, s9;
	[sflag:s12] =	ssyncadd.s32 $0xFFFFC000  }
0x38: {  	[tilespmem:s13], [sflag:$0x2] =	stream.linear.gather [hbm4b:s20+s3], $0x80, $0x38;
	[tilespmem:$0x17D00] =	vst v63  }
0x39: {  	_ =	swait.ge [sflag:s12], $0x80  }
0x3a: {  	[sflag:s12] =	ssyncset.done $0x0  }
0x3b: {  	s31 =	sadd.s32 s19, s10;
	[sflag:s12] =	ssyncadd.s32 $0xFFFFFF80  }
0x3c: {  	[tilespmem:s14], [sflag:$0x2] =	stream.linear.gather [hbm4b:s31+s3], $0x80, $0x38;
	[tilespmem:$0x17D00] =	vst v63  }
0x3d: {  	_ =	swait.ge [sflag:s12], $0x80  }
0x3e: {  	[sflag:s12] =	ssyncset.done $0x0  }
0x3f: {  	[sflag:s12] =	ssyncadd.s32 $0xFFFFFF80  }
0x40: {  	[tilespmem:s16], [sflag:$0x1] =	stream.indirect.gather [hbm4b:s4+s15], $0x80, s13, s15, $0xb8;
	[tilespmem:$0x17D00] =	vst v63  }
0x41: {  	_ =	swait.ge [sflag:s17], $0x4000  }
0x42: {  	[sflag:s17] =	ssyncset.done $0x0  }
0x43: {  	[sflag:s17] =	ssyncadd.s32 $0xFFFFC000  }
0x44: {  	[spmem:s2] =	stream.indirect.scatter.add.f32 [tilespmem:s16], [sflag:$0x2], $0x80, s14, s15, $0xb8;
	[tilespmem:$0x17D00] =	vst v63  }
0x45: {  	_ =	swait.ge [sflag:s12], $0x4000  }
0x46: {  	s18 =	sadd.s32 $0x1, s18;
	[sflag:s12] =	ssyncset.done $0x0  }
0x47: {  	p0 =	sne.s32 s18, s8;
	[sflag:s12] =	ssyncadd.s32 $0xFFFFC000  }
.Ltmp1:
0x48: {  	[bflag:$0x0] =	sbarrier.arrive $0xFFFF;
	(pc) =	sbr.rel @p0 .LBB2_1-.Ltmp1, $4  }
0x49: {  	[hbm:s7], [sflag:s6] =	dma.local [spmem:s11], $0x2780  }
0x4a: {  	_ =	swait.ge [sflag:s12], $0x2780  }
0x4b: {  	[sflag:s12] =	ssyncset.done $0x0  }
0x4c: {  	[sflag:s12] =	ssyncadd.s32 $0xFFFFD880  }
0x4d: {  	_ =	sfence.sel $0x180000  }
0x4e: {  	[bflag:$0x0] =	sbarrier.arrive $0xFFFF  }
0x4f: {  	p0 =	sne.s32 s1, $0x0;
	_ =	strace $0x9000004A  }
0x50: {  	s0 =	sadd.s32 @!p0 $0x100000, s0;
	[bflag:$0x2] =	sbarrier.arrive $0xFFFF  }
0x51: {  	[sflag:s0] =	ssyncadd.tile.s32 @!p0 $0x1;
	_ =	shalt  }
.Lfunc_end2:
_tile_overlayer_lowered:
.L_overlay_start_2:
0x52: {  	(tag) =	ssettag $0x2  }
0x53: {  	s0 =	rddreg [dreg:$0x0];
	s2 =	stileid.u32  }
0x54: {  	s1 =	rddreg [dreg:$0x1];
	p0 =	sne.s32 s2, $0x0  }
0x55: {  	s3 =	rddreg [dreg:$0x2];
	[bflag:$0x3] =	sbarrier.arrive $0xFFFF;
	s2 =	simm.s32 @!p0 $0x1C02  }
0x56: {  	[timem:s3], [sflag:s2] =	dma.local @!p0 [hbm:s0], s1  }
0x57: {  	s0 =	simm.s32 @!p0 $0x2  }
0x58: {  	_ =	swait.ge @!p0 [sflag:s0], s1  }
0x59: {  	s1 =	ssub.s32 @!p0 $0x0, s1;
	[sflag:s0] =	ssyncset.done @!p0 $0x0  }
0x5a: {  	[sflag:s0] =	ssyncadd.s32 @!p0 s1  }
0x5b: {  	[bflag:$0x3] =	sbarrier.arrive $0xFFFF  }
0x5c: {  	_ =	shalt  }

</sc_bundles>
